<compile_context>
chip_gen: v7x
topology: tpu7x:2x2x1
jax: 0.10.2.dev20260603
libtpu: 0.0.44.dev20260713+nightly
codegen_flags: <defaults>
</compile_context>

<pallas_src>
import functools

import jax
import jax.numpy as jnp
from jax import lax
from jax.experimental import pallas as pl
from jax.experimental.pallas import tpu as pltpu
from jax.experimental.pallas import tpu_sc as plsc

N = 10000
N_PAD = 10240
E = 160000
E_PAD = 163840
NB = 80
EB = E_PAD // 16
CW = 128
RT = N_PAD // 16
DB = NB // 2
RBLK = 1024

_MESH = dict(core_axis_name="c", subcore_axis_name="s")


@functools.partial(
    pl.kernel,
    mesh=plsc.VectorSubcoreMesh(**_MESH),
    out_type=jax.ShapeDtypeStruct((2, N_PAD, 128), jnp.float32),
    scratch_types=[
        pltpu.VMEM((DB, 128), jnp.int32),
        pltpu.VMEM((128, 128), jnp.float32),
        pltpu.VMEM_SHARED((N_PAD, 128), jnp.float32),
    ],
)
def _deg_kernel(dst_hbm, ones_hbm, out_hbm, dst_v, ones_v, acc):
    cid = lax.axis_index("c")
    sid = lax.axis_index("s")
    pltpu.sync_copy(dst_hbm.at[sid, cid], dst_v)
    pltpu.sync_copy(ones_hbm.at[pl.ds(0, 128)], ones_v)
    pltpu.sync_copy(ones_hbm.at[pl.ds(sid * RT, RT)], acc.at[pl.ds(sid * RT, RT)])
    plsc.subcore_barrier()

    def body(j, carry):
        pltpu.sync_copy(ones_v, acc.at[dst_v.at[j]], add=True)
        return carry

    lax.fori_loop(0, DB, body, 0)
    plsc.subcore_barrier()
    pltpu.sync_copy(acc.at[pl.ds(sid * RT, RT)], out_hbm.at[cid, pl.ds(sid * RT, RT)])


def _make_scatter(nch):
    rpc = nch // 2

    @functools.partial(
        pl.kernel,
        mesh=plsc.VectorSubcoreMesh(**_MESH),
        out_type=jax.ShapeDtypeStruct((nch, N_PAD, CW), jnp.float32),
        scratch_types=[
            pltpu.VMEM((NB // 2, 128), jnp.int32),
            pltpu.VMEM((NB // 2, 128), jnp.int32),
            pltpu.VMEM((2, 128, CW), jnp.float32),
            pltpu.VMEM_SHARED((N_PAD, CW), jnp.float32),
            pltpu.SemaphoreType.DMA,
            pltpu.SemaphoreType.DMA,
        ],
    )
    def scat(g_hbm, src_hbm, dst_hbm, out_hbm, src_v, dst_v, buf, acc, s0, s1):
        cid = lax.axis_index("c")
        sid = lax.axis_index("s")
        NBH = NB // 2
        for rep in range(rpc):
            chunk = cid * rpc + rep
            pltpu.sync_copy(
                g_hbm.at[pl.ds(chunk * N_PAD + sid * RT, RT)],
                acc.at[pl.ds(sid * RT, RT)],
            )
            plsc.subcore_barrier()

            for half in range(2):
                pltpu.sync_copy(
                    src_hbm.at[chunk, sid, pl.ds(half * NBH, NBH)], src_v)
                pltpu.sync_copy(
                    dst_hbm.at[sid, pl.ds(half * NBH, NBH)], dst_v)

                pltpu.async_copy(g_hbm.at[src_v.at[0]], buf.at[0], s0)

                def body(h, carry):
                    j = 2 * h
                    pltpu.make_async_copy(
                        g_hbm.at[src_v.at[0]], buf.at[0], s0).wait()
                    pltpu.async_copy(g_hbm.at[src_v.at[j + 1]], buf.at[1], s1)
                    pltpu.sync_copy(buf.at[0], acc.at[dst_v.at[j]], add=True)
                    pltpu.make_async_copy(
                        g_hbm.at[src_v.at[0]], buf.at[1], s1).wait()
                    pltpu.async_copy(
                        g_hbm.at[src_v.at[lax.rem(j + 2, NBH)]], buf.at[0], s0)
                    pltpu.sync_copy(buf.at[1], acc.at[dst_v.at[j + 1]], add=True)
                    return carry

                lax.fori_loop(0, NBH // 2, body, 0)
                pltpu.make_async_copy(g_hbm.at[src_v.at[0]], buf.at[0], s0).wait()
            plsc.subcore_barrier()
            pltpu.sync_copy(
                acc.at[pl.ds(sid * RT, RT)],
                out_hbm.at[chunk, pl.ds(sid * RT, RT)],
            )
            if rep + 1 < rpc:
                plsc.subcore_barrier()

    return scat


_scatter2 = _make_scatter(2)


def _dot(a, b):
    return lax.dot_general(a, b, (((1,), (0,)), ((), ())),
                           preferred_element_type=jnp.float32)


def _scale_body(x_ref, h_ref, o_ref, d_ref):
    row0 = pl.program_id(0) * RBLK
    rows = row0 + lax.broadcasted_iota(jnp.int32, (RBLK, 1), 0)
    h = h_ref[0][:, :1] + h_ref[1][:, :1] - 1.0
    d = jnp.where(rows < N, lax.rsqrt(h), 0.0)
    d_ref[...] = d
    g = x_ref[...] * d
    o_ref[0] = g[:, :CW]
    o_ref[1] = g[:, CW:]


def _scale(x_pad, hist2):
    return pl.pallas_call(
        _scale_body,
        grid=(N_PAD // RBLK,),
        in_specs=[
            pl.BlockSpec((RBLK, 256), lambda i: (i, 0)),
            pl.BlockSpec((2, RBLK, 128), lambda i: (0, i, 0)),
        ],
        out_specs=[
            pl.BlockSpec((2, RBLK, CW), lambda i: (0, i, 0)),
            pl.BlockSpec((RBLK, 1), lambda i: (i, 0)),
        ],
        out_shape=[
            jax.ShapeDtypeStruct((2, N_PAD, CW), jnp.float32),
            jax.ShapeDtypeStruct((N_PAD, 1), jnp.float32),
        ],
    )(x_pad, hist2)


def _mid_body(s_ref, w1_ref, w2_ref, b_ref, d_ref, o_ref):
    t = jnp.concatenate([s_ref[0], s_ref[1]], axis=1)
    h = jnp.maximum(_dot(t, w1_ref[...]) * d_ref[...] + b_ref[...], 0.0)
    g = _dot(h, w2_ref[...]) * d_ref[...]
    o_ref[0] = g[:, :CW]
    o_ref[1] = g[:, CW:]


def _mid(s1, W1, W2, b1, dvec):
    return pl.pallas_call(
        _mid_body,
        grid=(N_PAD // RBLK,),
        in_specs=[
            pl.BlockSpec((2, RBLK, CW), lambda i: (0, i, 0)),
            pl.BlockSpec((256, 512), lambda i: (0, 0)),
            pl.BlockSpec((512, 256), lambda i: (0, 0)),
            pl.BlockSpec((1, 512), lambda i: (0, 0)),
            pl.BlockSpec((RBLK, 1), lambda i: (i, 0)),
        ],
        out_specs=pl.BlockSpec((2, RBLK, CW), lambda i: (0, i, 0)),
        out_shape=jax.ShapeDtypeStruct((2, N_PAD, CW), jnp.float32),
    )(s1, W1, W2, b1, dvec)


def _fin_body(s_ref, b_ref, d_ref, o_ref):
    t = jnp.concatenate([s_ref[0], s_ref[1]], axis=1)
    o_ref[...] = t * d_ref[...] + b_ref[...]


def _fin(s2, b2, dvec):
    return pl.pallas_call(
        _fin_body,
        grid=(N_PAD // RBLK,),
        in_specs=[
            pl.BlockSpec((2, RBLK, CW), lambda i: (0, i, 0)),
            pl.BlockSpec((1, 256), lambda i: (0, 0)),
            pl.BlockSpec((RBLK, 1), lambda i: (i, 0)),
        ],
        out_specs=pl.BlockSpec((RBLK, 256), lambda i: (i, 0)),
        out_shape=jax.ShapeDtypeStruct((N, 256), jnp.float32),
    )(s2, b2, dvec)


def kernel(x, edge_index, W1, b1, W2, b2):
    src = edge_index[0].astype(jnp.int32)
    dst = edge_index[1].astype(jnp.int32)
    pad = N + (jnp.arange(E_PAD - E, dtype=jnp.int32) % (N_PAD - N))
    src_p = jnp.concatenate([src, pad]).reshape(16, EB)
    dst_t = jnp.concatenate([dst, pad]).reshape(16, NB, 128)
    src2 = (src_p[None] + (jnp.arange(2, dtype=jnp.int32) * N_PAD)[:, None, None]
            ).reshape(2, 16, NB, 128)

    ones_pl = jnp.ones((N_PAD, 128), jnp.float32)
    hist2 = _deg_kernel(dst_t.reshape(16, 2, DB, 128), ones_pl)

    x_pad = jnp.pad(x, ((0, N_PAD - N), (0, 0)))
    xs, dvec = _scale(x_pad, hist2)
    s1 = _scatter2(xs.reshape(2 * N_PAD, CW), src2, dst_t)
    g2 = _mid(s1, W1, W2, b1.reshape(1, 512), dvec)
    s2 = _scatter2(g2.reshape(2 * N_PAD, CW), src2, dst_t)
    return _fin(s2, b2.reshape(1, 256), dvec)

# --- scband reference (transcript-rebuilt; emitter-appended) ---
"""Pipeline reference for scband-autoencoder-45286135169785 (READ-ONLY COPY).

The authoritative reference and input builder live on the scoring server;
editing this copy changes nothing except your own understanding.
"""

import jax, jax.numpy as jnp
import numpy as np

N_NODES = 10000
IN_CH = 256
OUT_CH = 256
N_EDGES = 160000


def gcn_conv(x, edge_index, W, b, num_nodes):
    # PyG GCNConv: add self-loops, symmetric normalization D^{-1/2}(A+I)D^{-1/2}
    src = edge_index[0]
    dst = edge_index[1]
    loop = jnp.arange(num_nodes, dtype=edge_index.dtype)
    src = jnp.concatenate([src, loop])
    dst = jnp.concatenate([dst, loop])
    deg = jnp.zeros((num_nodes,), dtype=x.dtype).at[dst].add(1.0)
    deg_inv_sqrt = jnp.where(deg > 0, 1.0 / jnp.sqrt(deg), 0.0)
    norm = deg_inv_sqrt[src] * deg_inv_sqrt[dst]
    h = x @ W
    msg = h[src] * norm[:, None]
    out = jnp.zeros((num_nodes, h.shape[1]), dtype=h.dtype).at[dst].add(msg)
    return out + b


def setup_inputs(seed: int = 0) -> dict:
    key = jax.random.key(seed)
    k1, k2, k3, k4, k5, k6 = jax.random.split(key, 6)
    x = jax.random.normal(k1, (N_NODES, IN_CH), dtype=jnp.float32)
    edge_index = jax.random.randint(k2, (2, N_EDGES), 0, N_NODES, dtype=jnp.int64)
    # conv1: in_channels -> 2*out_channels
    W1 = jax.random.normal(k3, (IN_CH, 2 * OUT_CH), dtype=jnp.float32) * (1.0 / np.sqrt(IN_CH))
    b1 = jnp.zeros((2 * OUT_CH,), dtype=jnp.float32)
    # conv2: 2*out_channels -> out_channels
    W2 = jax.random.normal(k4, (2 * OUT_CH, OUT_CH), dtype=jnp.float32) * (1.0 / np.sqrt(2 * OUT_CH))
    b2 = jnp.zeros((OUT_CH,), dtype=jnp.float32)
    return {"x": x, "edge_index": edge_index, "W1": W1, "b1": b1, "W2": W2, "b2": b2}


def reference(x, edge_index, W1, b1, W2, b2):
    h = gcn_conv(x, edge_index, W1, b1, N_NODES)
    h = jax.nn.relu(h)
    out = gcn_conv(h, edge_index, W2, b2, N_NODES)
    return out

if __name__ == "__main__":
    import jax
    _d = setup_inputs()
    print(jax.jit(kernel)(*tuple(_d.values())))

</pallas_src>

<mosaic_0001>
#map = affine_map<(d0, d1) -> (0, 0)>
#map1 = affine_map<(d0, d1) -> (0, 0, 0, 0)>
#map2 = affine_map<(d0, d1) -> (0, 0, 0)>
module attributes {stable_mosaic.version = 14 : i64} {
  func.func @scat(%arg0: i32, %arg1: i32, %arg2: memref<20480x128xf32, #tpu.memory_space<hbm>>, %arg3: memref<2x16x80x128xi32, #tpu.memory_space<hbm>>, %arg4: memref<16x80x128xi32, #tpu.memory_space<hbm>>, %arg5: memref<2x10240x128xf32, #tpu.memory_space<hbm>>, %arg6: memref<40x128xi32, #tpu.memory_space<vmem>>, %arg7: memref<40x128xi32, #tpu.memory_space<vmem>>, %arg8: memref<2x128x128xf32, #tpu.memory_space<vmem>>, %arg9: memref<10240x128xf32, #tpu.memory_space<vmem_shared>>, %arg10: memref<!tpu.dma_semaphore, #tpu.memory_space<semaphore_mem>>, %arg11: memref<!tpu.dma_semaphore, #tpu.memory_space<semaphore_mem>>) attributes {dimension_semantics = [#tpu.dimension_semantics<core_parallel>, #tpu.dimension_semantics<subcore_parallel>], iteration_bounds = array<i64: 2, 16>, scalar_prefetch = 0 : i64, scratch_operands = 6 : i64, tpu.core_type = #tpu.core_type<sc_vector_subcore>, window_params = [{transform_indices = #map}, {transform_indices = #map1}, {transform_indices = #map2}, {transform_indices = #map2}]} {
    %mul3A = arith.constant 1 : i32
    %mul3A_0 = arith.muli %arg0, %mul3A : i32
    %add3A = arith.constant 0 : i32
    %add3A_1 = arith.addi %mul3A_0, %add3A : i32
    %mul3A_2 = arith.constant 10240 : i32
    %mul3A_3 = arith.muli %add3A_1, %mul3A_2 : i32
    %mul3A_4 = arith.constant 640 : i32
    %mul3A_5 = arith.muli %arg1, %mul3A_4 : i32
    %add3A_6 = arith.addi %mul3A_3, %mul3A_5 : i32
    %mul3A_7 = arith.constant 640 : i32
    %mul3A_8 = arith.muli %arg1, %mul3A_7 : i32
    "tpu.region"() ({
      %run_scoped3A = tpu.sem_alloc : memref<!tpu.dma_semaphore, #tpu.memory_space<semaphore_mem>>
      %dma_start3A_71 = arith.constant 0 : i32
      %dma_start3A_72 = tpu.memref_slice %arg9[%mul3A_8, %dma_start3A_71] : memref<10240x128xf32, #tpu.memory_space<vmem_shared>> -> memref<640x128xf32, #tpu.memory_space<vmem_shared>>
      %dma_start3A_73 = arith.constant 0 : i32
      %dma_start3A_74 = tpu.memref_slice %arg2[%add3A_6, %dma_start3A_73] : memref<20480x128xf32, #tpu.memory_space<hbm>> -> memref<640x128xf32, #tpu.memory_space<hbm>>
      tpu.enqueue_dma source(%dma_start3A_74 : memref<640x128xf32, #tpu.memory_space<hbm>>) target(%dma_start3A_72 : memref<640x128xf32, #tpu.memory_space<vmem_shared>>) target_semaphore(%run_scoped3A : memref<!tpu.dma_semaphore, #tpu.memory_space<semaphore_mem>>)
      %dma_wait3A_75 = arith.constant 0 : i32
      %dma_wait3A_76 = tpu.memref_slice %arg9[%mul3A_8, %dma_wait3A_75] : memref<10240x128xf32, #tpu.memory_space<vmem_shared>> -> memref<640x128xf32, #tpu.memory_space<vmem_shared>>
      %dma_wait3A_77 = arith.constant 0 : i32
      %dma_wait3A_78 = tpu.memref_slice %arg2[%add3A_6, %dma_wait3A_77] : memref<20480x128xf32, #tpu.memory_space<hbm>> -> memref<640x128xf32, #tpu.memory_space<hbm>>
      tpu.wait_dma2 semaphore(%run_scoped3A : memref<!tpu.dma_semaphore, #tpu.memory_space<semaphore_mem>>) src(%dma_wait3A_78 : memref<640x128xf32, #tpu.memory_space<hbm>>) dst(%dma_wait3A_76 : memref<640x128xf32, #tpu.memory_space<vmem_shared>>)
      tpu.yield
    }) : () -> ()
    %barrier3A = arith.constant 0 : index
    tpu.barrier barrier_id(%barrier3A)
    "tpu.region"() ({
      %run_scoped3A = tpu.sem_alloc : memref<!tpu.dma_semaphore, #tpu.memory_space<semaphore_mem>>
      %dma_start3A_71 = arith.constant 0 : i32
      %dma_start3A_72 = arith.constant 0 : i32
      %dma_start3A_73 = tpu.memref_slice %arg3[%add3A_1, %arg1, %dma_start3A_71, %dma_start3A_72] : memref<2x16x80x128xi32, #tpu.memory_space<hbm>> -> memref<1x1x40x128xi32, #tpu.memory_space<hbm>>
      %dma_start3A_74 = tpu.memref_squeeze %dma_start3A_73 : memref<1x1x40x128xi32, #tpu.memory_space<hbm>> -> memref<40x128xi32, #tpu.memory_space<hbm>>
      %dma_start3A_75 = arith.constant 0 : i32
      %dma_start3A_76 = arith.constant 0 : i32
      %dma_start3A_77 = tpu.memref_slice %arg3[%add3A_1, %arg1, %dma_start3A_75, %dma_start3A_76] : memref<2x16x80x128xi32, #tpu.memory_space<hbm>> -> memref<1x1x40x128xi32, #tpu.memory_space<hbm>>
      %dma_start3A_78 = tpu.memref_squeeze %dma_start3A_77 : memref<1x1x40x128xi32, #tpu.memory_space<hbm>> -> memref<40x128xi32, #tpu.memory_space<hbm>>
      tpu.enqueue_dma source(%dma_start3A_78 : memref<40x128xi32, #tpu.memory_space<hbm>>) target(%arg6 : memref<40x128xi32, #tpu.memory_space<vmem>>) target_semaphore(%run_scoped3A : memref<!tpu.dma_semaphore, #tpu.memory_space<semaphore_mem>>)
      %dma_wait3A_79 = arith.constant 0 : i32
      %dma_wait3A_80 = arith.constant 0 : i32
      %dma_wait3A_81 = tpu.memref_slice %arg3[%add3A_1, %arg1, %dma_wait3A_79, %dma_wait3A_80] : memref<2x16x80x128xi32, #tpu.memory_space<hbm>> -> memref<1x1x40x128xi32, #tpu.memory_space<hbm>>
      %dma_wait3A_82 = tpu.memref_squeeze %dma_wait3A_81 : memref<1x1x40x128xi32, #tpu.memory_space<hbm>> -> memref<40x128xi32, #tpu.memory_space<hbm>>
      %dma_wait3A_83 = arith.constant 0 : i32
      %dma_wait3A_84 = arith.constant 0 : i32
      %dma_wait3A_85 = tpu.memref_slice %arg3[%add3A_1, %arg1, %dma_wait3A_83, %dma_wait3A_84] : memref<2x16x80x128xi32, #tpu.memory_space<hbm>> -> memref<1x1x40x128xi32, #tpu.memory_space<hbm>>
      %dma_wait3A_86 = tpu.memref_squeeze %dma_wait3A_85 : memref<1x1x40x128xi32, #tpu.memory_space<hbm>> -> memref<40x128xi32, #tpu.memory_space<hbm>>
      tpu.wait_dma2 semaphore(%run_scoped3A : memref<!tpu.dma_semaphore, #tpu.memory_space<semaphore_mem>>) src(%dma_wait3A_86 : memref<40x128xi32, #tpu.memory_space<hbm>>) dst(%arg6 : memref<40x128xi32, #tpu.memory_space<vmem>>)
      tpu.yield
    }) : () -> ()
    "tpu.region"() ({
      %run_scoped3A = tpu.sem_alloc : memref<!tpu.dma_semaphore, #tpu.memory_space<semaphore_mem>>
      %dma_start3A_71 = arith.constant 0 : i32
      %dma_start3A_72 = arith.constant 0 : i32
      %dma_start3A_73 = tpu.memref_slice %arg4[%arg1, %dma_start3A_71, %dma_start3A_72] : memref<16x80x128xi32, #tpu.memory_space<hbm>> -> memref<1x40x128xi32, #tpu.memory_space<hbm>>
      %dma_start3A_74 = tpu.memref_squeeze %dma_start3A_73 : memref<1x40x128xi32, #tpu.memory_space<hbm>> -> memref<40x128xi32, #tpu.memory_space<hbm>>
      %dma_start3A_75 = arith.constant 0 : i32
      %dma_start3A_76 = arith.constant 0 : i32
      %dma_start3A_77 = tpu.memref_slice %arg4[%arg1, %dma_start3A_75, %dma_start3A_76] : memref<16x80x128xi32, #tpu.memory_space<hbm>> -> memref<1x40x128xi32, #tpu.memory_space<hbm>>
      %dma_start3A_78 = tpu.memref_squeeze %dma_start3A_77 : memref<1x40x128xi32, #tpu.memory_space<hbm>> -> memref<40x128xi32, #tpu.memory_space<hbm>>
      tpu.enqueue_dma source(%dma_start3A_78 : memref<40x128xi32, #tpu.memory_space<hbm>>) target(%arg7 : memref<40x128xi32, #tpu.memory_space<vmem>>) target_semaphore(%run_scoped3A : memref<!tpu.dma_semaphore, #tpu.memory_space<semaphore_mem>>)
      %dma_wait3A_79 = arith.constant 0 : i32
      %dma_wait3A_80 = arith.constant 0 : i32
      %dma_wait3A_81 = tpu.memref_slice %arg4[%arg1, %dma_wait3A_79, %dma_wait3A_80] : memref<16x80x128xi32, #tpu.memory_space<hbm>> -> memref<1x40x128xi32, #tpu.memory_space<hbm>>
      %dma_wait3A_82 = tpu.memref_squeeze %dma_wait3A_81 : memref<1x40x128xi32, #tpu.memory_space<hbm>> -> memref<40x128xi32, #tpu.memory_space<hbm>>
      %dma_wait3A_83 = arith.constant 0 : i32
      %dma_wait3A_84 = arith.constant 0 : i32
      %dma_wait3A_85 = tpu.memref_slice %arg4[%arg1, %dma_wait3A_83, %dma_wait3A_84] : memref<16x80x128xi32, #tpu.memory_space<hbm>> -> memref<1x40x128xi32, #tpu.memory_space<hbm>>
      %dma_wait3A_86 = tpu.memref_squeeze %dma_wait3A_85 : memref<1x40x128xi32, #tpu.memory_space<hbm>> -> memref<40x128xi32, #tpu.memory_space<hbm>>
      tpu.wait_dma2 semaphore(%run_scoped3A : memref<!tpu.dma_semaphore, #tpu.memory_space<semaphore_mem>>) src(%dma_wait3A_86 : memref<40x128xi32, #tpu.memory_space<hbm>>) dst(%arg7 : memref<40x128xi32, #tpu.memory_space<vmem>>)
      tpu.yield
    }) : () -> ()
    %dma_start3A = arith.constant 0 : i32
    %dma_start3A_9 = arith.constant 0 : i32
    %dma_start3A_10 = arith.constant 0 : i32
    %dma_start3A_11 = arith.constant 0 : i32
    %dma_start3A_12 = tpu.memref_slice %arg8[%dma_start3A_9, %dma_start3A_10, %dma_start3A_11] : memref<2x128x128xf32, #tpu.memory_space<vmem>> -> memref<1x128x128xf32, #tpu.memory_space<vmem>>
    %dma_start3A_13 = tpu.memref_squeeze %dma_start3A_12 : memref<1x128x128xf32, #tpu.memory_space<vmem>> -> memref<128x128xf32, #tpu.memory_space<vmem>>
    %dma_start3A_14 = arith.constant 0 : i32
    %dma_start3A_15 = tpu.memref_slice %arg6[%dma_start3A, %dma_start3A_14] : memref<40x128xi32, #tpu.memory_space<vmem>> -> memref<1x128xi32, #tpu.memory_space<vmem>>
    %dma_start3A_16 = tpu.memref_squeeze %dma_start3A_15 : memref<1x128xi32, #tpu.memory_space<vmem>> -> memref<128xi32, #tpu.memory_space<vmem>>
    %dma_start3A_17 = arith.constant 0 : i32
    %dma_start3A_18 = arith.constant 0 : i32
    %dma_start3A_19 = tpu.memref_slice %arg2[%dma_start3A_17, %dma_start3A_18] : memref<20480x128xf32, #tpu.memory_space<hbm>> -> memref<20480x128xf32, #tpu.memory_space<hbm>>
    tpu.enqueue_indirect_dma source(%dma_start3A_19 : memref<20480x128xf32, #tpu.memory_space<hbm>>) target(%dma_start3A_13 : memref<128x128xf32, #tpu.memory_space<vmem>>) offsets(%dma_start3A_16 : memref<128xi32, #tpu.memory_space<vmem>>) semaphore(%arg10 : memref<!tpu.dma_semaphore, #tpu.memory_space<semaphore_mem>>)
    %scan3A = arith.constant 0 : i32
    %scan3A_20 = arith.constant 0 : i32
    %scan3A_21 = arith.constant 20 : i32
    %scan3A_22 = arith.addi %scan3A_20, %scan3A_21 : i32
    %scan3A_23 = arith.constant 1 : i32
    scf.for %scan3A_71 = %scan3A_20 to %scan3A_22 step %scan3A_23  : i32 {
      %mul3A_72 = arith.constant 2 : i32
      %mul3A_73 = arith.muli %mul3A_72, %scan3A_71 : i32
      %dma_wait3A_74 = arith.constant 0 : i32
      %dma_wait3A_75 = arith.constant 0 : i32
      %dma_wait3A_76 = arith.constant 0 : i32
      %dma_wait3A_77 = arith.constant 0 : i32
      %dma_wait3A_78 = tpu.memref_slice %arg8[%dma_wait3A_75, %dma_wait3A_76, %dma_wait3A_77] : memref<2x128x128xf32, #tpu.memory_space<vmem>> -> memref<1x128x128xf32, #tpu.memory_space<vmem>>
      %dma_wait3A_79 = tpu.memref_squeeze %dma_wait3A_78 : memref<1x128x128xf32, #tpu.memory_space<vmem>> -> memref<128x128xf32, #tpu.memory_space<vmem>>
      %dma_wait3A_80 = arith.constant 0 : i32
      %dma_wait3A_81 = tpu.memref_slice %arg6[%dma_wait3A_74, %dma_wait3A_80] : memref<40x128xi32, #tpu.memory_space<vmem>> -> memref<1x128xi32, #tpu.memory_space<vmem>>
      %dma_wait3A_82 = tpu.memref_squeeze %dma_wait3A_81 : memref<1x128xi32, #tpu.memory_space<vmem>> -> memref<128xi32, #tpu.memory_space<vmem>>
      %dma_wait3A_83 = arith.constant 0 : i32
      %dma_wait3A_84 = arith.constant 0 : i32
      %dma_wait3A_85 = tpu.memref_slice %arg2[%dma_wait3A_83, %dma_wait3A_84] : memref<20480x128xf32, #tpu.memory_space<hbm>> -> memref<20480x128xf32, #tpu.memory_space<hbm>>
      tpu.wait_indirect_dma semaphore(%arg10 : memref<!tpu.dma_semaphore, #tpu.memory_space<semaphore_mem>>) src(%dma_wait3A_85 : memref<20480x128xf32, #tpu.memory_space<hbm>>) dst(%dma_wait3A_79 : memref<128x128xf32, #tpu.memory_space<vmem>>)
      %add3A_86 = arith.constant 1 : i32
      %add3A_87 = arith.addi %mul3A_73, %add3A_86 : i32
      %dma_start3A_88 = arith.constant 1 : i32
      %dma_start3A_89 = arith.constant 0 : i32
      %dma_start3A_90 = arith.constant 0 : i32
      %dma_start3A_91 = tpu.memref_slice %arg8[%dma_start3A_88, %dma_start3A_89, %dma_start3A_90] : memref<2x128x128xf32, #tpu.memory_space<vmem>> -> memref<1x128x128xf32, #tpu.memory_space<vmem>>
      %dma_start3A_92 = tpu.memref_squeeze %dma_start3A_91 : memref<1x128x128xf32, #tpu.memory_space<vmem>> -> memref<128x128xf32, #tpu.memory_space<vmem>>
      %dma_start3A_93 = arith.constant 0 : i32
      %dma_start3A_94 = tpu.memref_slice %arg6[%add3A_87, %dma_start3A_93] : memref<40x128xi32, #tpu.memory_space<vmem>> -> memref<1x128xi32, #tpu.memory_space<vmem>>
      %dma_start3A_95 = tpu.memref_squeeze %dma_start3A_94 : memref<1x128xi32, #tpu.memory_space<vmem>> -> memref<128xi32, #tpu.memory_space<vmem>>
      %dma_start3A_96 = arith.constant 0 : i32
      %dma_start3A_97 = arith.constant 0 : i32
      %dma_start3A_98 = tpu.memref_slice %arg2[%dma_start3A_96, %dma_start3A_97] : memref<20480x128xf32, #tpu.memory_space<hbm>> -> memref<20480x128xf32, #tpu.memory_space<hbm>>
      tpu.enqueue_indirect_dma source(%dma_start3A_98 : memref<20480x128xf32, #tpu.memory_space<hbm>>) target(%dma_start3A_92 : memref<128x128xf32, #tpu.memory_space<vmem>>) offsets(%dma_start3A_95 : memref<128xi32, #tpu.memory_space<vmem>>) semaphore(%arg11 : memref<!tpu.dma_semaphore, #tpu.memory_space<semaphore_mem>>)
      %run_scoped3A = arith.constant 0 : i32
      "tpu.region"() ({
        %run_scoped3A_128 = tpu.sem_alloc : memref<!tpu.dma_semaphore, #tpu.memory_space<semaphore_mem>>
        %dma_start3A_129 = arith.constant 0 : i32
        %dma_start3A_130 = arith.constant 0 : i32
        %dma_start3A_131 = tpu.memref_slice %arg8[%run_scoped3A, %dma_start3A_129, %dma_start3A_130] : memref<2x128x128xf32, #tpu.memory_space<vmem>> -> memref<1x128x128xf32, #tpu.memory_space<vmem>>
        %dma_start3A_132 = tpu.memref_squeeze %dma_start3A_131 : memref<1x128x128xf32, #tpu.memory_space<vmem>> -> memref<128x128xf32, #tpu.memory_space<vmem>>
        %dma_start3A_133 = arith.constant 0 : i32
        %dma_start3A_134 = tpu.memref_slice %arg7[%mul3A_73, %dma_start3A_133] : memref<40x128xi32, #tpu.memory_space<vmem>> -> memref<1x128xi32, #tpu.memory_space<vmem>>
        %dma_start3A_135 = tpu.memref_squeeze %dma_start3A_134 : memref<1x128xi32, #tpu.memory_space<vmem>> -> memref<128xi32, #tpu.memory_space<vmem>>
        %dma_start3A_136 = arith.constant 0 : i32
        %dma_start3A_137 = arith.constant 0 : i32
        %dma_start3A_138 = tpu.memref_slice %arg9[%dma_start3A_136, %dma_start3A_137] : memref<10240x128xf32, #tpu.memory_space<vmem_shared>> -> memref<10240x128xf32, #tpu.memory_space<vmem_shared>>
        tpu.enqueue_indirect_dma source(%dma_start3A_132 : memref<128x128xf32, #tpu.memory_space<vmem>>) target(%dma_start3A_138 : memref<10240x128xf32, #tpu.memory_space<vmem_shared>>) offsets(%dma_start3A_135 : memref<128xi32, #tpu.memory_space<vmem>>) semaphore(%run_scoped3A_128 : memref<!tpu.dma_semaphore, #tpu.memory_space<semaphore_mem>>) {add = true}
        %dma_wait3A_139 = arith.constant 0 : i32
        %dma_wait3A_140 = arith.constant 0 : i32
        %dma_wait3A_141 = tpu.memref_slice %arg8[%run_scoped3A, %dma_wait3A_139, %dma_wait3A_140] : memref<2x128x128xf32, #tpu.memory_space<vmem>> -> memref<1x128x128xf32, #tpu.memory_space<vmem>>
        %dma_wait3A_142 = tpu.memref_squeeze %dma_wait3A_141 : memref<1x128x128xf32, #tpu.memory_space<vmem>> -> memref<128x128xf32, #tpu.memory_space<vmem>>
        %dma_wait3A_143 = arith.constant 0 : i32
        %dma_wait3A_144 = tpu.memref_slice %arg7[%mul3A_73, %dma_wait3A_143] : memref<40x128xi32, #tpu.memory_space<vmem>> -> memref<1x128xi32, #tpu.memory_space<vmem>>
        %dma_wait3A_145 = tpu.memref_squeeze %dma_wait3A_144 : memref<1x128xi32, #tpu.memory_space<vmem>> -> memref<128xi32, #tpu.memory_space<vmem>>
        %dma_wait3A_146 = arith.constant 0 : i32
        %dma_wait3A_147 = arith.constant 0 : i32
        %dma_wait3A_148 = tpu.memref_slice %arg9[%dma_wait3A_146, %dma_wait3A_147] : memref<10240x128xf32, #tpu.memory_space<vmem_shared>> -> memref<10240x128xf32, #tpu.memory_space<vmem_shared>>
        tpu.wait_indirect_dma semaphore(%run_scoped3A_128 : memref<!tpu.dma_semaphore, #tpu.memory_space<semaphore_mem>>) src(%dma_wait3A_142 : memref<128x128xf32, #tpu.memory_space<vmem>>) dst(%dma_wait3A_148 : memref<10240x128xf32, #tpu.memory_space<vmem_shared>>)
        tpu.yield
      }) : () -> ()
      %dma_wait3A_99 = arith.constant 0 : i32
      %dma_wait3A_100 = arith.constant 1 : i32
      %dma_wait3A_101 = arith.constant 0 : i32
      %dma_wait3A_102 = arith.constant 0 : i32
      %dma_wait3A_103 = tpu.memref_slice %arg8[%dma_wait3A_100, %dma_wait3A_101, %dma_wait3A_102] : memref<2x128x128xf32, #tpu.memory_space<vmem>> -> memref<1x128x128xf32, #tpu.memory_space<vmem>>
      %dma_wait3A_104 = tpu.memref_squeeze %dma_wait3A_103 : memref<1x128x128xf32, #tpu.memory_space<vmem>> -> memref<128x128xf32, #tpu.memory_space<vmem>>
      %dma_wait3A_105 = arith.constant 0 : i32
      %dma_wait3A_106 = tpu.memref_slice %arg6[%dma_wait3A_99, %dma_wait3A_105] : memref<40x128xi32, #tpu.memory_space<vmem>> -> memref<1x128xi32, #tpu.memory_space<vmem>>
      %dma_wait3A_107 = tpu.memref_squeeze %dma_wait3A_106 : memref<1x128xi32, #tpu.memory_space<vmem>> -> memref<128xi32, #tpu.memory_space<vmem>>
      %dma_wait3A_108 = arith.constant 0 : i32
      %dma_wait3A_109 = arith.constant 0 : i32
      %dma_wait3A_110 = tpu.memref_slice %arg2[%dma_wait3A_108, %dma_wait3A_109] : memref<20480x128xf32, #tpu.memory_space<hbm>> -> memref<20480x128xf32, #tpu.memory_space<hbm>>
      tpu.wait_indirect_dma semaphore(%arg11 : memref<!tpu.dma_semaphore, #tpu.memory_space<semaphore_mem>>) src(%dma_wait3A_110 : memref<20480x128xf32, #tpu.memory_space<hbm>>) dst(%dma_wait3A_104 : memref<128x128xf32, #tpu.memory_space<vmem>>)
      %add3A_111 = arith.constant 2 : i32
      %add3A_112 = arith.addi %mul3A_73, %add3A_111 : i32
      %rem3A = arith.constant 40 : i32
      %rem3A_113 = arith.remsi %add3A_112, %rem3A : i32
      %dma_start3A_114 = arith.constant 0 : i32
      %dma_start3A_115 = arith.constant 0 : i32
      %dma_start3A_116 = arith.constant 0 : i32
      %dma_start3A_117 = tpu.memref_slice %arg8[%dma_start3A_114, %dma_start3A_115, %dma_start3A_116] : memref<2x128x128xf32, #tpu.memory_space<vmem>> -> memref<1x128x128xf32, #tpu.memory_space<vmem>>
      %dma_start3A_118 = tpu.memref_squeeze %dma_start3A_117 : memref<1x128x128xf32, #tpu.memory_space<vmem>> -> memref<128x128xf32, #tpu.memory_space<vmem>>
      %dma_start3A_119 = arith.constant 0 : i32
      %dma_start3A_120 = tpu.memref_slice %arg6[%rem3A_113, %dma_start3A_119] : memref<40x128xi32, #tpu.memory_space<vmem>> -> memref<1x128xi32, #tpu.memory_space<vmem>>
      %dma_start3A_121 = tpu.memref_squeeze %dma_start3A_120 : memref<1x128xi32, #tpu.memory_space<vmem>> -> memref<128xi32, #tpu.memory_space<vmem>>
      %dma_start3A_122 = arith.constant 0 : i32
      %dma_start3A_123 = arith.constant 0 : i32
      %dma_start3A_124 = tpu.memref_slice %arg2[%dma_start3A_122, %dma_start3A_123] : memref<20480x128xf32, #tpu.memory_space<hbm>> -> memref<20480x128xf32, #tpu.memory_space<hbm>>
      tpu.enqueue_indirect_dma source(%dma_start3A_124 : memref<20480x128xf32, #tpu.memory_space<hbm>>) target(%dma_start3A_118 : memref<128x128xf32, #tpu.memory_space<vmem>>) offsets(%dma_start3A_121 : memref<128xi32, #tpu.memory_space<vmem>>) semaphore(%arg10 : memref<!tpu.dma_semaphore, #tpu.memory_space<semaphore_mem>>)
      %add3A_125 = arith.constant 1 : i32
      %add3A_126 = arith.addi %mul3A_73, %add3A_125 : i32
      %run_scoped3A_127 = arith.constant 1 : i32
      "tpu.region"() ({
        %run_scoped3A_128 = tpu.sem_alloc : memref<!tpu.dma_semaphore, #tpu.memory_space<semaphore_mem>>
        %dma_start3A_129 = arith.constant 0 : i32
        %dma_start3A_130 = arith.constant 0 : i32
        %dma_start3A_131 = tpu.memref_slice %arg8[%run_scoped3A_127, %dma_start3A_129, %dma_start3A_130] : memref<2x128x128xf32, #tpu.memory_space<vmem>> -> memref<1x128x128xf32, #tpu.memory_space<vmem>>
        %dma_start3A_132 = tpu.memref_squeeze %dma_start3A_131 : memref<1x128x128xf32, #tpu.memory_space<vmem>> -> memref<128x128xf32, #tpu.memory_space<vmem>>
        %dma_start3A_133 = arith.constant 0 : i32
        %dma_start3A_134 = tpu.memref_slice %arg7[%add3A_126, %dma_start3A_133] : memref<40x128xi32, #tpu.memory_space<vmem>> -> memref<1x128xi32, #tpu.memory_space<vmem>>
        %dma_start3A_135 = tpu.memref_squeeze %dma_start3A_134 : memref<1x128xi32, #tpu.memory_space<vmem>> -> memref<128xi32, #tpu.memory_space<vmem>>
        %dma_start3A_136 = arith.constant 0 : i32
        %dma_start3A_137 = arith.constant 0 : i32
        %dma_start3A_138 = tpu.memref_slice %arg9[%dma_start3A_136, %dma_start3A_137] : memref<10240x128xf32, #tpu.memory_space<vmem_shared>> -> memref<10240x128xf32, #tpu.memory_space<vmem_shared>>
        tpu.enqueue_indirect_dma source(%dma_start3A_132 : memref<128x128xf32, #tpu.memory_space<vmem>>) target(%dma_start3A_138 : memref<10240x128xf32, #tpu.memory_space<vmem_shared>>) offsets(%dma_start3A_135 : memref<128xi32, #tpu.memory_space<vmem>>) semaphore(%run_scoped3A_128 : memref<!tpu.dma_semaphore, #tpu.memory_space<semaphore_mem>>) {add = true}
        %dma_wait3A_139 = arith.constant 0 : i32
        %dma_wait3A_140 = arith.constant 0 : i32
        %dma_wait3A_141 = tpu.memref_slice %arg8[%run_scoped3A_127, %dma_wait3A_139, %dma_wait3A_140] : memref<2x128x128xf32, #tpu.memory_space<vmem>> -> memref<1x128x128xf32, #tpu.memory_space<vmem>>
        %dma_wait3A_142 = tpu.memref_squeeze %dma_wait3A_141 : memref<1x128x128xf32, #tpu.memory_space<vmem>> -> memref<128x128xf32, #tpu.memory_space<vmem>>
        %dma_wait3A_143 = arith.constant 0 : i32
        %dma_wait3A_144 = tpu.memref_slice %arg7[%add3A_126, %dma_wait3A_143] : memref<40x128xi32, #tpu.memory_space<vmem>> -> memref<1x128xi32, #tpu.memory_space<vmem>>
        %dma_wait3A_145 = tpu.memref_squeeze %dma_wait3A_144 : memref<1x128xi32, #tpu.memory_space<vmem>> -> memref<128xi32, #tpu.memory_space<vmem>>
        %dma_wait3A_146 = arith.constant 0 : i32
        %dma_wait3A_147 = arith.constant 0 : i32
        %dma_wait3A_148 = tpu.memref_slice %arg9[%dma_wait3A_146, %dma_wait3A_147] : memref<10240x128xf32, #tpu.memory_space<vmem_shared>> -> memref<10240x128xf32, #tpu.memory_space<vmem_shared>>
        tpu.wait_indirect_dma semaphore(%run_scoped3A_128 : memref<!tpu.dma_semaphore, #tpu.memory_space<semaphore_mem>>) src(%dma_wait3A_142 : memref<128x128xf32, #tpu.memory_space<vmem>>) dst(%dma_wait3A_148 : memref<10240x128xf32, #tpu.memory_space<vmem_shared>>)
        tpu.yield
      }) : () -> ()
    }
    %scan3A_24 = arith.constant 20 : i32
    %dma_wait3A = arith.constant 0 : i32
    %dma_wait3A_25 = arith.constant 0 : i32
    %dma_wait3A_26 = arith.constant 0 : i32
    %dma_wait3A_27 = arith.constant 0 : i32
    %dma_wait3A_28 = tpu.memref_slice %arg8[%dma_wait3A_25, %dma_wait3A_26, %dma_wait3A_27] : memref<2x128x128xf32, #tpu.memory_space<vmem>> -> memref<1x128x128xf32, #tpu.memory_space<vmem>>
    %dma_wait3A_29 = tpu.memref_squeeze %dma_wait3A_28 : memref<1x128x128xf32, #tpu.memory_space<vmem>> -> memref<128x128xf32, #tpu.memory_space<vmem>>
    %dma_wait3A_30 = arith.constant 0 : i32
    %dma_wait3A_31 = tpu.memref_slice %arg6[%dma_wait3A, %dma_wait3A_30] : memref<40x128xi32, #tpu.memory_space<vmem>> -> memref<1x128xi32, #tpu.memory_space<vmem>>
    %dma_wait3A_32 = tpu.memref_squeeze %dma_wait3A_31 : memref<1x128xi32, #tpu.memory_space<vmem>> -> memref<128xi32, #tpu.memory_space<vmem>>
    %dma_wait3A_33 = arith.constant 0 : i32
    %dma_wait3A_34 = arith.constant 0 : i32
    %dma_wait3A_35 = tpu.memref_slice %arg2[%dma_wait3A_33, %dma_wait3A_34] : memref<20480x128xf32, #tpu.memory_space<hbm>> -> memref<20480x128xf32, #tpu.memory_space<hbm>>
    tpu.wait_indirect_dma semaphore(%arg10 : memref<!tpu.dma_semaphore, #tpu.memory_space<semaphore_mem>>) src(%dma_wait3A_35 : memref<20480x128xf32, #tpu.memory_space<hbm>>) dst(%dma_wait3A_29 : memref<128x128xf32, #tpu.memory_space<vmem>>)
    "tpu.region"() ({
      %run_scoped3A = tpu.sem_alloc : memref<!tpu.dma_semaphore, #tpu.memory_space<semaphore_mem>>
      %dma_start3A_71 = arith.constant 40 : i32
      %dma_start3A_72 = arith.constant 0 : i32
      %dma_start3A_73 = tpu.memref_slice %arg3[%add3A_1, %arg1, %dma_start3A_71, %dma_start3A_72] : memref<2x16x80x128xi32, #tpu.memory_space<hbm>> -> memref<1x1x40x128xi32, #tpu.memory_space<hbm>>
      %dma_start3A_74 = tpu.memref_squeeze %dma_start3A_73 : memref<1x1x40x128xi32, #tpu.memory_space<hbm>> -> memref<40x128xi32, #tpu.memory_space<hbm>>
      %dma_start3A_75 = arith.constant 40 : i32
      %dma_start3A_76 = arith.constant 0 : i32
      %dma_start3A_77 = tpu.memref_slice %arg3[%add3A_1, %arg1, %dma_start3A_75, %dma_start3A_76] : memref<2x16x80x128xi32, #tpu.memory_space<hbm>> -> memref<1x1x40x128xi32, #tpu.memory_space<hbm>>
      %dma_start3A_78 = tpu.memref_squeeze %dma_start3A_77 : memref<1x1x40x128xi32, #tpu.memory_space<hbm>> -> memref<40x128xi32, #tpu.memory_space<hbm>>
      tpu.enqueue_dma source(%dma_start3A_78 : memref<40x128xi32, #tpu.memory_space<hbm>>) target(%arg6 : memref<40x128xi32, #tpu.memory_space<vmem>>) target_semaphore(%run_scoped3A : memref<!tpu.dma_semaphore, #tpu.memory_space<semaphore_mem>>)
      %dma_wait3A_79 = arith.constant 40 : i32
      %dma_wait3A_80 = arith.constant 0 : i32
      %dma_wait3A_81 = tpu.memref_slice %arg3[%add3A_1, %arg1, %dma_wait3A_79, %dma_wait3A_80] : memref<2x16x80x128xi32, #tpu.memory_space<hbm>> -> memref<1x1x40x128xi32, #tpu.memory_space<hbm>>
      %dma_wait3A_82 = tpu.memref_squeeze %dma_wait3A_81 : memref<1x1x40x128xi32, #tpu.memory_space<hbm>> -> memref<40x128xi32, #tpu.memory_space<hbm>>
      %dma_wait3A_83 = arith.constant 40 : i32
      %dma_wait3A_84 = arith.constant 0 : i32
      %dma_wait3A_85 = tpu.memref_slice %arg3[%add3A_1, %arg1, %dma_wait3A_83, %dma_wait3A_84] : memref<2x16x80x128xi32, #tpu.memory_space<hbm>> -> memref<1x1x40x128xi32, #tpu.memory_space<hbm>>
      %dma_wait3A_86 = tpu.memref_squeeze %dma_wait3A_85 : memref<1x1x40x128xi32, #tpu.memory_space<hbm>> -> memref<40x128xi32, #tpu.memory_space<hbm>>
      tpu.wait_dma2 semaphore(%run_scoped3A : memref<!tpu.dma_semaphore, #tpu.memory_space<semaphore_mem>>) src(%dma_wait3A_86 : memref<40x128xi32, #tpu.memory_space<hbm>>) dst(%arg6 : memref<40x128xi32, #tpu.memory_space<vmem>>)
      tpu.yield
    }) : () -> ()
    "tpu.region"() ({
      %run_scoped3A = tpu.sem_alloc : memref<!tpu.dma_semaphore, #tpu.memory_space<semaphore_mem>>
      %dma_start3A_71 = arith.constant 40 : i32
      %dma_start3A_72 = arith.constant 0 : i32
      %dma_start3A_73 = tpu.memref_slice %arg4[%arg1, %dma_start3A_71, %dma_start3A_72] : memref<16x80x128xi32, #tpu.memory_space<hbm>> -> memref<1x40x128xi32, #tpu.memory_space<hbm>>
      %dma_start3A_74 = tpu.memref_squeeze %dma_start3A_73 : memref<1x40x128xi32, #tpu.memory_space<hbm>> -> memref<40x128xi32, #tpu.memory_space<hbm>>
      %dma_start3A_75 = arith.constant 40 : i32
      %dma_start3A_76 = arith.constant 0 : i32
      %dma_start3A_77 = tpu.memref_slice %arg4[%arg1, %dma_start3A_75, %dma_start3A_76] : memref<16x80x128xi32, #tpu.memory_space<hbm>> -> memref<1x40x128xi32, #tpu.memory_space<hbm>>
      %dma_start3A_78 = tpu.memref_squeeze %dma_start3A_77 : memref<1x40x128xi32, #tpu.memory_space<hbm>> -> memref<40x128xi32, #tpu.memory_space<hbm>>
      tpu.enqueue_dma source(%dma_start3A_78 : memref<40x128xi32, #tpu.memory_space<hbm>>) target(%arg7 : memref<40x128xi32, #tpu.memory_space<vmem>>) target_semaphore(%run_scoped3A : memref<!tpu.dma_semaphore, #tpu.memory_space<semaphore_mem>>)
      %dma_wait3A_79 = arith.constant 40 : i32
      %dma_wait3A_80 = arith.constant 0 : i32
      %dma_wait3A_81 = tpu.memref_slice %arg4[%arg1, %dma_wait3A_79, %dma_wait3A_80] : memref<16x80x128xi32, #tpu.memory_space<hbm>> -> memref<1x40x128xi32, #tpu.memory_space<hbm>>
      %dma_wait3A_82 = tpu.memref_squeeze %dma_wait3A_81 : memref<1x40x128xi32, #tpu.memory_space<hbm>> -> memref<40x128xi32, #tpu.memory_space<hbm>>
      %dma_wait3A_83 = arith.constant 40 : i32
      %dma_wait3A_84 = arith.constant 0 : i32
      %dma_wait3A_85 = tpu.memref_slice %arg4[%arg1, %dma_wait3A_83, %dma_wait3A_84] : memref<16x80x128xi32, #tpu.memory_space<hbm>> -> memref<1x40x128xi32, #tpu.memory_space<hbm>>
      %dma_wait3A_86 = tpu.memref_squeeze %dma_wait3A_85 : memref<1x40x128xi32, #tpu.memory_space<hbm>> -> memref<40x128xi32, #tpu.memory_space<hbm>>
      tpu.wait_dma2 semaphore(%run_scoped3A : memref<!tpu.dma_semaphore, #tpu.memory_space<semaphore_mem>>) src(%dma_wait3A_86 : memref<40x128xi32, #tpu.memory_space<hbm>>) dst(%arg7 : memref<40x128xi32, #tpu.memory_space<vmem>>)
      tpu.yield
    }) : () -> ()
    %dma_start3A_36 = arith.constant 0 : i32
    %dma_start3A_37 = arith.constant 0 : i32
    %dma_start3A_38 = arith.constant 0 : i32
    %dma_start3A_39 = arith.constant 0 : i32
    %dma_start3A_40 = tpu.memref_slice %arg8[%dma_start3A_37, %dma_start3A_38, %dma_start3A_39] : memref<2x128x128xf32, #tpu.memory_space<vmem>> -> memref<1x128x128xf32, #tpu.memory_space<vmem>>
    %dma_start3A_41 = tpu.memref_squeeze %dma_start3A_40 : memref<1x128x128xf32, #tpu.memory_space<vmem>> -> memref<128x128xf32, #tpu.memory_space<vmem>>
    %dma_start3A_42 = arith.constant 0 : i32
    %dma_start3A_43 = tpu.memref_slice %arg6[%dma_start3A_36, %dma_start3A_42] : memref<40x128xi32, #tpu.memory_space<vmem>> -> memref<1x128xi32, #tpu.memory_space<vmem>>
    %dma_start3A_44 = tpu.memref_squeeze %dma_start3A_43 : memref<1x128xi32, #tpu.memory_space<vmem>> -> memref<128xi32, #tpu.memory_space<vmem>>
    %dma_start3A_45 = arith.constant 0 : i32
    %dma_start3A_46 = arith.constant 0 : i32
    %dma_start3A_47 = tpu.memref_slice %arg2[%dma_start3A_45, %dma_start3A_46] : memref<20480x128xf32, #tpu.memory_space<hbm>> -> memref<20480x128xf32, #tpu.memory_space<hbm>>
    tpu.enqueue_indirect_dma source(%dma_start3A_47 : memref<20480x128xf32, #tpu.memory_space<hbm>>) target(%dma_start3A_41 : memref<128x128xf32, #tpu.memory_space<vmem>>) offsets(%dma_start3A_44 : memref<128xi32, #tpu.memory_space<vmem>>) semaphore(%arg10 : memref<!tpu.dma_semaphore, #tpu.memory_space<semaphore_mem>>)
    %scan3A_48 = arith.constant 0 : i32
    %scan3A_49 = arith.constant 0 : i32
    %scan3A_50 = arith.constant 20 : i32
    %scan3A_51 = arith.addi %scan3A_49, %scan3A_50 : i32
    %scan3A_52 = arith.constant 1 : i32
    scf.for %scan3A_71 = %scan3A_49 to %scan3A_51 step %scan3A_52  : i32 {
      %mul3A_72 = arith.constant 2 : i32
      %mul3A_73 = arith.muli %mul3A_72, %scan3A_71 : i32
      %dma_wait3A_74 = arith.constant 0 : i32
      %dma_wait3A_75 = arith.constant 0 : i32
      %dma_wait3A_76 = arith.constant 0 : i32
      %dma_wait3A_77 = arith.constant 0 : i32
      %dma_wait3A_78 = tpu.memref_slice %arg8[%dma_wait3A_75, %dma_wait3A_76, %dma_wait3A_77] : memref<2x128x128xf32, #tpu.memory_space<vmem>> -> memref<1x128x128xf32, #tpu.memory_space<vmem>>
      %dma_wait3A_79 = tpu.memref_squeeze %dma_wait3A_78 : memref<1x128x128xf32, #tpu.memory_space<vmem>> -> memref<128x128xf32, #tpu.memory_space<vmem>>
      %dma_wait3A_80 = arith.constant 0 : i32
      %dma_wait3A_81 = tpu.memref_slice %arg6[%dma_wait3A_74, %dma_wait3A_80] : memref<40x128xi32, #tpu.memory_space<vmem>> -> memref<1x128xi32, #tpu.memory_space<vmem>>
      %dma_wait3A_82 = tpu.memref_squeeze %dma_wait3A_81 : memref<1x128xi32, #tpu.memory_space<vmem>> -> memref<128xi32, #tpu.memory_space<vmem>>
      %dma_wait3A_83 = arith.constant 0 : i32
      %dma_wait3A_84 = arith.constant 0 : i32
      %dma_wait3A_85 = tpu.memref_slice %arg2[%dma_wait3A_83, %dma_wait3A_84] : memref<20480x128xf32, #tpu.memory_space<hbm>> -> memref<20480x128xf32, #tpu.memory_space<hbm>>
      tpu.wait_indirect_dma semaphore(%arg10 : memref<!tpu.dma_semaphore, #tpu.memory_space<semaphore_mem>>) src(%dma_wait3A_85 : memref<20480x128xf32, #tpu.memory_space<hbm>>) dst(%dma_wait3A_79 : memref<128x128xf32, #tpu.memory_space<vmem>>)
      %add3A_86 = arith.constant 1 : i32
      %add3A_87 = arith.addi %mul3A_73, %add3A_86 : i32
      %dma_start3A_88 = arith.constant 1 : i32
      %dma_start3A_89 = arith.constant 0 : i32
      %dma_start3A_90 = arith.constant 0 : i32
      %dma_start3A_91 = tpu.memref_slice %arg8[%dma_start3A_88, %dma_start3A_89, %dma_start3A_90] : memref<2x128x128xf32, #tpu.memory_space<vmem>> -> memref<1x128x128xf32, #tpu.memory_space<vmem>>
      %dma_start3A_92 = tpu.memref_squeeze %dma_start3A_91 : memref<1x128x128xf32, #tpu.memory_space<vmem>> -> memref<128x128xf32, #tpu.memory_space<vmem>>
      %dma_start3A_93 = arith.constant 0 : i32
      %dma_start3A_94 = tpu.memref_slice %arg6[%add3A_87, %dma_start3A_93] : memref<40x128xi32, #tpu.memory_space<vmem>> -> memref<1x128xi32, #tpu.memory_space<vmem>>
      %dma_start3A_95 = tpu.memref_squeeze %dma_start3A_94 : memref<1x128xi32, #tpu.memory_space<vmem>> -> memref<128xi32, #tpu.memory_space<vmem>>
      %dma_start3A_96 = arith.constant 0 : i32
      %dma_start3A_97 = arith.constant 0 : i32
      %dma_start3A_98 = tpu.memref_slice %arg2[%dma_start3A_96, %dma_start3A_97] : memref<20480x128xf32, #tpu.memory_space<hbm>> -> memref<20480x128xf32, #tpu.memory_space<hbm>>
      tpu.enqueue_indirect_dma source(%dma_start3A_98 : memref<20480x128xf32, #tpu.memory_space<hbm>>) target(%dma_start3A_92 : memref<128x128xf32, #tpu.memory_space<vmem>>) offsets(%dma_start3A_95 : memref<128xi32, #tpu.memory_space<vmem>>) semaphore(%arg11 : memref<!tpu.dma_semaphore, #tpu.memory_space<semaphore_mem>>)
      %run_scoped3A = arith.constant 0 : i32
      "tpu.region"() ({
        %run_scoped3A_128 = tpu.sem_alloc : memref<!tpu.dma_semaphore, #tpu.memory_space<semaphore_mem>>
        %dma_start3A_129 = arith.constant 0 : i32
        %dma_start3A_130 = arith.constant 0 : i32
        %dma_start3A_131 = tpu.memref_slice %arg8[%run_scoped3A, %dma_start3A_129, %dma_start3A_130] : memref<2x128x128xf32, #tpu.memory_space<vmem>> -> memref<1x128x128xf32, #tpu.memory_space<vmem>>
        %dma_start3A_132 = tpu.memref_squeeze %dma_start3A_131 : memref<1x128x128xf32, #tpu.memory_space<vmem>> -> memref<128x128xf32, #tpu.memory_space<vmem>>
        %dma_start3A_133 = arith.constant 0 : i32
        %dma_start3A_134 = tpu.memref_slice %arg7[%mul3A_73, %dma_start3A_133] : memref<40x128xi32, #tpu.memory_space<vmem>> -> memref<1x128xi32, #tpu.memory_space<vmem>>
        %dma_start3A_135 = tpu.memref_squeeze %dma_start3A_134 : memref<1x128xi32, #tpu.memory_space<vmem>> -> memref<128xi32, #tpu.memory_space<vmem>>
        %dma_start3A_136 = arith.constant 0 : i32
        %dma_start3A_137 = arith.constant 0 : i32
        %dma_start3A_138 = tpu.memref_slice %arg9[%dma_start3A_136, %dma_start3A_137] : memref<10240x128xf32, #tpu.memory_space<vmem_shared>> -> memref<10240x128xf32, #tpu.memory_space<vmem_shared>>
        tpu.enqueue_indirect_dma source(%dma_start3A_132 : memref<128x128xf32, #tpu.memory_space<vmem>>) target(%dma_start3A_138 : memref<10240x128xf32, #tpu.memory_space<vmem_shared>>) offsets(%dma_start3A_135 : memref<128xi32, #tpu.memory_space<vmem>>) semaphore(%run_scoped3A_128 : memref<!tpu.dma_semaphore, #tpu.memory_space<semaphore_mem>>) {add = true}
        %dma_wait3A_139 = arith.constant 0 : i32
        %dma_wait3A_140 = arith.constant 0 : i32
        %dma_wait3A_141 = tpu.memref_slice %arg8[%run_scoped3A, %dma_wait3A_139, %dma_wait3A_140] : memref<2x128x128xf32, #tpu.memory_space<vmem>> -> memref<1x128x128xf32, #tpu.memory_space<vmem>>
        %dma_wait3A_142 = tpu.memref_squeeze %dma_wait3A_141 : memref<1x128x128xf32, #tpu.memory_space<vmem>> -> memref<128x128xf32, #tpu.memory_space<vmem>>
        %dma_wait3A_143 = arith.constant 0 : i32
        %dma_wait3A_144 = tpu.memref_slice %arg7[%mul3A_73, %dma_wait3A_143] : memref<40x128xi32, #tpu.memory_space<vmem>> -> memref<1x128xi32, #tpu.memory_space<vmem>>
        %dma_wait3A_145 = tpu.memref_squeeze %dma_wait3A_144 : memref<1x128xi32, #tpu.memory_space<vmem>> -> memref<128xi32, #tpu.memory_space<vmem>>
        %dma_wait3A_146 = arith.constant 0 : i32
        %dma_wait3A_147 = arith.constant 0 : i32
        %dma_wait3A_148 = tpu.memref_slice %arg9[%dma_wait3A_146, %dma_wait3A_147] : memref<10240x128xf32, #tpu.memory_space<vmem_shared>> -> memref<10240x128xf32, #tpu.memory_space<vmem_shared>>
        tpu.wait_indirect_dma semaphore(%run_scoped3A_128 : memref<!tpu.dma_semaphore, #tpu.memory_space<semaphore_mem>>) src(%dma_wait3A_142 : memref<128x128xf32, #tpu.memory_space<vmem>>) dst(%dma_wait3A_148 : memref<10240x128xf32, #tpu.memory_space<vmem_shared>>)
        tpu.yield
      }) : () -> ()
      %dma_wait3A_99 = arith.constant 0 : i32
      %dma_wait3A_100 = arith.constant 1 : i32
      %dma_wait3A_101 = arith.constant 0 : i32
      %dma_wait3A_102 = arith.constant 0 : i32
      %dma_wait3A_103 = tpu.memref_slice %arg8[%dma_wait3A_100, %dma_wait3A_101, %dma_wait3A_102] : memref<2x128x128xf32, #tpu.memory_space<vmem>> -> memref<1x128x128xf32, #tpu.memory_space<vmem>>
      %dma_wait3A_104 = tpu.memref_squeeze %dma_wait3A_103 : memref<1x128x128xf32, #tpu.memory_space<vmem>> -> memref<128x128xf32, #tpu.memory_space<vmem>>
      %dma_wait3A_105 = arith.constant 0 : i32
      %dma_wait3A_106 = tpu.memref_slice %arg6[%dma_wait3A_99, %dma_wait3A_105] : memref<40x128xi32, #tpu.memory_space<vmem>> -> memref<1x128xi32, #tpu.memory_space<vmem>>
      %dma_wait3A_107 = tpu.memref_squeeze %dma_wait3A_106 : memref<1x128xi32, #tpu.memory_space<vmem>> -> memref<128xi32, #tpu.memory_space<vmem>>
      %dma_wait3A_108 = arith.constant 0 : i32
      %dma_wait3A_109 = arith.constant 0 : i32
      %dma_wait3A_110 = tpu.memref_slice %arg2[%dma_wait3A_108, %dma_wait3A_109] : memref<20480x128xf32, #tpu.memory_space<hbm>> -> memref<20480x128xf32, #tpu.memory_space<hbm>>
      tpu.wait_indirect_dma semaphore(%arg11 : memref<!tpu.dma_semaphore, #tpu.memory_space<semaphore_mem>>) src(%dma_wait3A_110 : memref<20480x128xf32, #tpu.memory_space<hbm>>) dst(%dma_wait3A_104 : memref<128x128xf32, #tpu.memory_space<vmem>>)
      %add3A_111 = arith.constant 2 : i32
      %add3A_112 = arith.addi %mul3A_73, %add3A_111 : i32
      %rem3A = arith.constant 40 : i32
      %rem3A_113 = arith.remsi %add3A_112, %rem3A : i32
      %dma_start3A_114 = arith.constant 0 : i32
      %dma_start3A_115 = arith.constant 0 : i32
      %dma_start3A_116 = arith.constant 0 : i32
      %dma_start3A_117 = tpu.memref_slice %arg8[%dma_start3A_114, %dma_start3A_115, %dma_start3A_116] : memref<2x128x128xf32, #tpu.memory_space<vmem>> -> memref<1x128x128xf32, #tpu.memory_space<vmem>>
      %dma_start3A_118 = tpu.memref_squeeze %dma_start3A_117 : memref<1x128x128xf32, #tpu.memory_space<vmem>> -> memref<128x128xf32, #tpu.memory_space<vmem>>
      %dma_start3A_119 = arith.constant 0 : i32
      %dma_start3A_120 = tpu.memref_slice %arg6[%rem3A_113, %dma_start3A_119] : memref<40x128xi32, #tpu.memory_space<vmem>> -> memref<1x128xi32, #tpu.memory_space<vmem>>
      %dma_start3A_121 = tpu.memref_squeeze %dma_start3A_120 : memref<1x128xi32, #tpu.memory_space<vmem>> -> memref<128xi32, #tpu.memory_space<vmem>>
      %dma_start3A_122 = arith.constant 0 : i32
      %dma_start3A_123 = arith.constant 0 : i32
      %dma_start3A_124 = tpu.memref_slice %arg2[%dma_start3A_122, %dma_start3A_123] : memref<20480x128xf32, #tpu.memory_space<hbm>> -> memref<20480x128xf32, #tpu.memory_space<hbm>>
      tpu.enqueue_indirect_dma source(%dma_start3A_124 : memref<20480x128xf32, #tpu.memory_space<hbm>>) target(%dma_start3A_118 : memref<128x128xf32, #tpu.memory_space<vmem>>) offsets(%dma_start3A_121 : memref<128xi32, #tpu.memory_space<vmem>>) semaphore(%arg10 : memref<!tpu.dma_semaphore, #tpu.memory_space<semaphore_mem>>)
      %add3A_125 = arith.constant 1 : i32
      %add3A_126 = arith.addi %mul3A_73, %add3A_125 : i32
      %run_scoped3A_127 = arith.constant 1 : i32
      "tpu.region"() ({
        %run_scoped3A_128 = tpu.sem_alloc : memref<!tpu.dma_semaphore, #tpu.memory_space<semaphore_mem>>
        %dma_start3A_129 = arith.constant 0 : i32
        %dma_start3A_130 = arith.constant 0 : i32
        %dma_start3A_131 = tpu.memref_slice %arg8[%run_scoped3A_127, %dma_start3A_129, %dma_start3A_130] : memref<2x128x128xf32, #tpu.memory_space<vmem>> -> memref<1x128x128xf32, #tpu.memory_space<vmem>>
        %dma_start3A_132 = tpu.memref_squeeze %dma_start3A_131 : memref<1x128x128xf32, #tpu.memory_space<vmem>> -> memref<128x128xf32, #tpu.memory_space<vmem>>
        %dma_start3A_133 = arith.constant 0 : i32
        %dma_start3A_134 = tpu.memref_slice %arg7[%add3A_126, %dma_start3A_133] : memref<40x128xi32, #tpu.memory_space<vmem>> -> memref<1x128xi32, #tpu.memory_space<vmem>>
        %dma_start3A_135 = tpu.memref_squeeze %dma_start3A_134 : memref<1x128xi32, #tpu.memory_space<vmem>> -> memref<128xi32, #tpu.memory_space<vmem>>
        %dma_start3A_136 = arith.constant 0 : i32
        %dma_start3A_137 = arith.constant 0 : i32
        %dma_start3A_138 = tpu.memref_slice %arg9[%dma_start3A_136, %dma_start3A_137] : memref<10240x128xf32, #tpu.memory_space<vmem_shared>> -> memref<10240x128xf32, #tpu.memory_space<vmem_shared>>
        tpu.enqueue_indirect_dma source(%dma_start3A_132 : memref<128x128xf32, #tpu.memory_space<vmem>>) target(%dma_start3A_138 : memref<10240x128xf32, #tpu.memory_space<vmem_shared>>) offsets(%dma_start3A_135 : memref<128xi32, #tpu.memory_space<vmem>>) semaphore(%run_scoped3A_128 : memref<!tpu.dma_semaphore, #tpu.memory_space<semaphore_mem>>) {add = true}
        %dma_wait3A_139 = arith.constant 0 : i32
        %dma_wait3A_140 = arith.constant 0 : i32
        %dma_wait3A_141 = tpu.memref_slice %arg8[%run_scoped3A_127, %dma_wait3A_139, %dma_wait3A_140] : memref<2x128x128xf32, #tpu.memory_space<vmem>> -> memref<1x128x128xf32, #tpu.memory_space<vmem>>
        %dma_wait3A_142 = tpu.memref_squeeze %dma_wait3A_141 : memref<1x128x128xf32, #tpu.memory_space<vmem>> -> memref<128x128xf32, #tpu.memory_space<vmem>>
        %dma_wait3A_143 = arith.constant 0 : i32
        %dma_wait3A_144 = tpu.memref_slice %arg7[%add3A_126, %dma_wait3A_143] : memref<40x128xi32, #tpu.memory_space<vmem>> -> memref<1x128xi32, #tpu.memory_space<vmem>>
        %dma_wait3A_145 = tpu.memref_squeeze %dma_wait3A_144 : memref<1x128xi32, #tpu.memory_space<vmem>> -> memref<128xi32, #tpu.memory_space<vmem>>
        %dma_wait3A_146 = arith.constant 0 : i32
        %dma_wait3A_147 = arith.constant 0 : i32
        %dma_wait3A_148 = tpu.memref_slice %arg9[%dma_wait3A_146, %dma_wait3A_147] : memref<10240x128xf32, #tpu.memory_space<vmem_shared>> -> memref<10240x128xf32, #tpu.memory_space<vmem_shared>>
        tpu.wait_indirect_dma semaphore(%run_scoped3A_128 : memref<!tpu.dma_semaphore, #tpu.memory_space<semaphore_mem>>) src(%dma_wait3A_142 : memref<128x128xf32, #tpu.memory_space<vmem>>) dst(%dma_wait3A_148 : memref<10240x128xf32, #tpu.memory_space<vmem_shared>>)
        tpu.yield
      }) : () -> ()
    }
    %scan3A_53 = arith.constant 20 : i32
    %dma_wait3A_54 = arith.constant 0 : i32
    %dma_wait3A_55 = arith.constant 0 : i32
    %dma_wait3A_56 = arith.constant 0 : i32
    %dma_wait3A_57 = arith.constant 0 : i32
    %dma_wait3A_58 = tpu.memref_slice %arg8[%dma_wait3A_55, %dma_wait3A_56, %dma_wait3A_57] : memref<2x128x128xf32, #tpu.memory_space<vmem>> -> memref<1x128x128xf32, #tpu.memory_space<vmem>>
    %dma_wait3A_59 = tpu.memref_squeeze %dma_wait3A_58 : memref<1x128x128xf32, #tpu.memory_space<vmem>> -> memref<128x128xf32, #tpu.memory_space<vmem>>
    %dma_wait3A_60 = arith.constant 0 : i32
    %dma_wait3A_61 = tpu.memref_slice %arg6[%dma_wait3A_54, %dma_wait3A_60] : memref<40x128xi32, #tpu.memory_space<vmem>> -> memref<1x128xi32, #tpu.memory_space<vmem>>
    %dma_wait3A_62 = tpu.memref_squeeze %dma_wait3A_61 : memref<1x128xi32, #tpu.memory_space<vmem>> -> memref<128xi32, #tpu.memory_space<vmem>>
    %dma_wait3A_63 = arith.constant 0 : i32
    %dma_wait3A_64 = arith.constant 0 : i32
    %dma_wait3A_65 = tpu.memref_slice %arg2[%dma_wait3A_63, %dma_wait3A_64] : memref<20480x128xf32, #tpu.memory_space<hbm>> -> memref<20480x128xf32, #tpu.memory_space<hbm>>
    tpu.wait_indirect_dma semaphore(%arg10 : memref<!tpu.dma_semaphore, #tpu.memory_space<semaphore_mem>>) src(%dma_wait3A_65 : memref<20480x128xf32, #tpu.memory_space<hbm>>) dst(%dma_wait3A_59 : memref<128x128xf32, #tpu.memory_space<vmem>>)
    %barrier3A_66 = arith.constant 0 : index
    tpu.barrier barrier_id(%barrier3A_66)
    %mul3A_67 = arith.constant 640 : i32
    %mul3A_68 = arith.muli %arg1, %mul3A_67 : i32
    %mul3A_69 = arith.constant 640 : i32
    %mul3A_70 = arith.muli %arg1, %mul3A_69 : i32
    "tpu.region"() ({
      %run_scoped3A = tpu.sem_alloc : memref<!tpu.dma_semaphore, #tpu.memory_space<semaphore_mem>>
      %dma_start3A_71 = arith.constant 0 : i32
      %dma_start3A_72 = tpu.memref_slice %arg5[%add3A_1, %mul3A_70, %dma_start3A_71] : memref<2x10240x128xf32, #tpu.memory_space<hbm>> -> memref<1x640x128xf32, #tpu.memory_space<hbm>>
      %dma_start3A_73 = tpu.memref_squeeze %dma_start3A_72 : memref<1x640x128xf32, #tpu.memory_space<hbm>> -> memref<640x128xf32, #tpu.memory_space<hbm>>
      %dma_start3A_74 = arith.constant 0 : i32
      %dma_start3A_75 = tpu.memref_slice %arg9[%mul3A_68, %dma_start3A_74] : memref<10240x128xf32, #tpu.memory_space<vmem_shared>> -> memref<640x128xf32, #tpu.memory_space<vmem_shared>>
      tpu.enqueue_dma source(%dma_start3A_75 : memref<640x128xf32, #tpu.memory_space<vmem_shared>>) target(%dma_start3A_73 : memref<640x128xf32, #tpu.memory_space<hbm>>) target_semaphore(%run_scoped3A : memref<!tpu.dma_semaphore, #tpu.memory_space<semaphore_mem>>)
      %dma_wait3A_76 = arith.constant 0 : i32
      %dma_wait3A_77 = tpu.memref_slice %arg5[%add3A_1, %mul3A_70, %dma_wait3A_76] : memref<2x10240x128xf32, #tpu.memory_space<hbm>> -> memref<1x640x128xf32, #tpu.memory_space<hbm>>
      %dma_wait3A_78 = tpu.memref_squeeze %dma_wait3A_77 : memref<1x640x128xf32, #tpu.memory_space<hbm>> -> memref<640x128xf32, #tpu.memory_space<hbm>>
      %dma_wait3A_79 = arith.constant 0 : i32
      %dma_wait3A_80 = tpu.memref_slice %arg9[%mul3A_68, %dma_wait3A_79] : memref<10240x128xf32, #tpu.memory_space<vmem_shared>> -> memref<640x128xf32, #tpu.memory_space<vmem_shared>>
      tpu.wait_dma2 semaphore(%run_scoped3A : memref<!tpu.dma_semaphore, #tpu.memory_space<semaphore_mem>>) src(%dma_wait3A_80 : memref<640x128xf32, #tpu.memory_space<vmem_shared>>) dst(%dma_wait3A_78 : memref<640x128xf32, #tpu.memory_space<hbm>>)
      tpu.yield
    }) : () -> ()
    return
  }
}

#map = affine_map<(d0, d1) -> (0, 0)>
#map1 = affine_map<(d0, d1) -> (0, 0, 0, 0)>
#map2 = affine_map<(d0, d1) -> (0, 0, 0)>
module attributes {stable_mosaic.version = 14 : i64} {
  func.func @scat(%arg0: i32, %arg1: i32, %arg2: memref<20480x128xf32, #tpu.memory_space<hbm>>, %arg3: memref<2x16x80x128xi32, #tpu.memory_space<hbm>>, %arg4: memref<16x80x128xi32, #tpu.memory_space<hbm>>, %arg5: memref<2x10240x128xf32, #tpu.memory_space<hbm>>, %arg6: memref<40x128xi32, #tpu.memory_space<vmem>>, %arg7: memref<40x128xi32, #tpu.memory_space<vmem>>, %arg8: memref<2x128x128xf32, #tpu.memory_space<vmem>>, %arg9: memref<10240x128xf32, #tpu.memory_space<vmem_shared>>, %arg10: memref<!tpu.dma_semaphore, #tpu.memory_space<semaphore_mem>>, %arg11: memref<!tpu.dma_semaphore, #tpu.memory_space<semaphore_mem>>) attributes {dimension_semantics = [#tpu.dimension_semantics<core_parallel>, #tpu.dimension_semantics<subcore_parallel>], iteration_bounds = array<i64: 2, 16>, scalar_prefetch = 0 : i64, scratch_operands = 6 : i64, tpu.core_type = #tpu.core_type<sc_vector_subcore>, window_params = [{transform_indices = #map}, {transform_indices = #map1}, {transform_indices = #map2}, {transform_indices = #map2}]} {
    %mul3A = arith.constant 1 : i32
    %mul3A_0 = arith.muli %arg0, %mul3A : i32
    %add3A = arith.constant 0 : i32
    %add3A_1 = arith.addi %mul3A_0, %add3A : i32
    %mul3A_2 = arith.constant 10240 : i32
    %mul3A_3 = arith.muli %add3A_1, %mul3A_2 : i32
    %mul3A_4 = arith.constant 640 : i32
    %mul3A_5 = arith.muli %arg1, %mul3A_4 : i32
    %add3A_6 = arith.addi %mul3A_3, %mul3A_5 : i32
    %mul3A_7 = arith.constant 640 : i32
    %mul3A_8 = arith.muli %arg1, %mul3A_7 : i32
    "tpu.region"() ({
      %run_scoped3A = tpu.sem_alloc : memref<!tpu.dma_semaphore, #tpu.memory_space<semaphore_mem>>
      %dma_start3A_71 = arith.constant 0 : i32
      %dma_start3A_72 = tpu.memref_slice %arg9[%mul3A_8, %dma_start3A_71] : memref<10240x128xf32, #tpu.memory_space<vmem_shared>> -> memref<640x128xf32, #tpu.memory_space<vmem_shared>>
      %dma_start3A_73 = arith.constant 0 : i32
      %dma_start3A_74 = tpu.memref_slice %arg2[%add3A_6, %dma_start3A_73] : memref<20480x128xf32, #tpu.memory_space<hbm>> -> memref<640x128xf32, #tpu.memory_space<hbm>>
      tpu.enqueue_dma source(%dma_start3A_74 : memref<640x128xf32, #tpu.memory_space<hbm>>) target(%dma_start3A_72 : memref<640x128xf32, #tpu.memory_space<vmem_shared>>) target_semaphore(%run_scoped3A : memref<!tpu.dma_semaphore, #tpu.memory_space<semaphore_mem>>)
      %dma_wait3A_75 = arith.constant 0 : i32
      %dma_wait3A_76 = tpu.memref_slice %arg9[%mul3A_8, %dma_wait3A_75] : memref<10240x128xf32, #tpu.memory_space<vmem_shared>> -> memref<640x128xf32, #tpu.memory_space<vmem_shared>>
      %dma_wait3A_77 = arith.constant 0 : i32
      %dma_wait3A_78 = tpu.memref_slice %arg2[%add3A_6, %dma_wait3A_77] : memref<20480x128xf32, #tpu.memory_space<hbm>> -> memref<640x128xf32, #tpu.memory_space<hbm>>
      tpu.wait_dma2 semaphore(%run_scoped3A : memref<!tpu.dma_semaphore, #tpu.memory_space<semaphore_mem>>) src(%dma_wait3A_78 : memref<640x128xf32, #tpu.memory_space<hbm>>) dst(%dma_wait3A_76 : memref<640x128xf32, #tpu.memory_space<vmem_shared>>)
      tpu.yield
    }) : () -> ()
    %barrier3A = arith.constant 0 : index
    tpu.barrier barrier_id(%barrier3A)
    "tpu.region"() ({
      %run_scoped3A = tpu.sem_alloc : memref<!tpu.dma_semaphore, #tpu.memory_space<semaphore_mem>>
      %dma_start3A_71 = arith.constant 0 : i32
      %dma_start3A_72 = arith.constant 0 : i32
      %dma_start3A_73 = tpu.memref_slice %arg3[%add3A_1, %arg1, %dma_start3A_71, %dma_start3A_72] : memref<2x16x80x128xi32, #tpu.memory_space<hbm>> -> memref<1x1x40x128xi32, #tpu.memory_space<hbm>>
      %dma_start3A_74 = tpu.memref_squeeze %dma_start3A_73 : memref<1x1x40x128xi32, #tpu.memory_space<hbm>> -> memref<40x128xi32, #tpu.memory_space<hbm>>
      %dma_start3A_75 = arith.constant 0 : i32
      %dma_start3A_76 = arith.constant 0 : i32
      %dma_start3A_77 = tpu.memref_slice %arg3[%add3A_1, %arg1, %dma_start3A_75, %dma_start3A_76] : memref<2x16x80x128xi32, #tpu.memory_space<hbm>> -> memref<1x1x40x128xi32, #tpu.memory_space<hbm>>
      %dma_start3A_78 = tpu.memref_squeeze %dma_start3A_77 : memref<1x1x40x128xi32, #tpu.memory_space<hbm>> -> memref<40x128xi32, #tpu.memory_space<hbm>>
      tpu.enqueue_dma source(%dma_start3A_78 : memref<40x128xi32, #tpu.memory_space<hbm>>) target(%arg6 : memref<40x128xi32, #tpu.memory_space<vmem>>) target_semaphore(%run_scoped3A : memref<!tpu.dma_semaphore, #tpu.memory_space<semaphore_mem>>)
      %dma_wait3A_79 = arith.constant 0 : i32
      %dma_wait3A_80 = arith.constant 0 : i32
      %dma_wait3A_81 = tpu.memref_slice %arg3[%add3A_1, %arg1, %dma_wait3A_79, %dma_wait3A_80] : memref<2x16x80x128xi32, #tpu.memory_space<hbm>> -> memref<1x1x40x128xi32, #tpu.memory_space<hbm>>
      %dma_wait3A_82 = tpu.memref_squeeze %dma_wait3A_81 : memref<1x1x40x128xi32, #tpu.memory_space<hbm>> -> memref<40x128xi32, #tpu.memory_space<hbm>>
      %dma_wait3A_83 = arith.constant 0 : i32
      %dma_wait3A_84 = arith.constant 0 : i32
      %dma_wait3A_85 = tpu.memref_slice %arg3[%add3A_1, %arg1, %dma_wait3A_83, %dma_wait3A_84] : memref<2x16x80x128xi32, #tpu.memory_space<hbm>> -> memref<1x1x40x128xi32, #tpu.memory_space<hbm>>
      %dma_wait3A_86 = tpu.memref_squeeze %dma_wait3A_85 : memref<1x1x40x128xi32, #tpu.memory_space<hbm>> -> memref<40x128xi32, #tpu.memory_space<hbm>>
      tpu.wait_dma2 semaphore(%run_scoped3A : memref<!tpu.dma_semaphore, #tpu.memory_space<semaphore_mem>>) src(%dma_wait3A_86 : memref<40x128xi32, #tpu.memory_space<hbm>>) dst(%arg6 : memref<40x128xi32, #tpu.memory_space<vmem>>)
      tpu.yield
    }) : () -> ()
    "tpu.region"() ({
      %run_scoped3A = tpu.sem_alloc : memref<!tpu.dma_semaphore, #tpu.memory_space<semaphore_mem>>
      %dma_start3A_71 = arith.constant 0 : i32
      %dma_start3A_72 = arith.constant 0 : i32
      %dma_start3A_73 = tpu.memref_slice %arg4[%arg1, %dma_start3A_71, %dma_start3A_72] : memref<16x80x128xi32, #tpu.memory_space<hbm>> -> memref<1x40x128xi32, #tpu.memory_space<hbm>>
      %dma_start3A_74 = tpu.memref_squeeze %dma_start3A_73 : memref<1x40x128xi32, #tpu.memory_space<hbm>> -> memref<40x128xi32, #tpu.memory_space<hbm>>
      %dma_start3A_75 = arith.constant 0 : i32
      %dma_start3A_76 = arith.constant 0 : i32
      %dma_start3A_77 = tpu.memref_slice %arg4[%arg1, %dma_start3A_75, %dma_start3A_76] : memref<16x80x128xi32, #tpu.memory_space<hbm>> -> memref<1x40x128xi32, #tpu.memory_space<hbm>>
      %dma_start3A_78 = tpu.memref_squeeze %dma_start3A_77 : memref<1x40x128xi32, #tpu.memory_space<hbm>> -> memref<40x128xi32, #tpu.memory_space<hbm>>
      tpu.enqueue_dma source(%dma_start3A_78 : memref<40x128xi32, #tpu.memory_space<hbm>>) target(%arg7 : memref<40x128xi32, #tpu.memory_space<vmem>>) target_semaphore(%run_scoped3A : memref<!tpu.dma_semaphore, #tpu.memory_space<semaphore_mem>>)
      %dma_wait3A_79 = arith.constant 0 : i32
      %dma_wait3A_80 = arith.constant 0 : i32
      %dma_wait3A_81 = tpu.memref_slice %arg4[%arg1, %dma_wait3A_79, %dma_wait3A_80] : memref<16x80x128xi32, #tpu.memory_space<hbm>> -> memref<1x40x128xi32, #tpu.memory_space<hbm>>
      %dma_wait3A_82 = tpu.memref_squeeze %dma_wait3A_81 : memref<1x40x128xi32, #tpu.memory_space<hbm>> -> memref<40x128xi32, #tpu.memory_space<hbm>>
      %dma_wait3A_83 = arith.constant 0 : i32
      %dma_wait3A_84 = arith.constant 0 : i32
      %dma_wait3A_85 = tpu.memref_slice %arg4[%arg1, %dma_wait3A_83, %dma_wait3A_84] : memref<16x80x128xi32, #tpu.memory_space<hbm>> -> memref<1x40x128xi32, #tpu.memory_space<hbm>>
      %dma_wait3A_86 = tpu.memref_squeeze %dma_wait3A_85 : memref<1x40x128xi32, #tpu.memory_space<hbm>> -> memref<40x128xi32, #tpu.memory_space<hbm>>
      tpu.wait_dma2 semaphore(%run_scoped3A : memref<!tpu.dma_semaphore, #tpu.memory_space<semaphore_mem>>) src(%dma_wait3A_86 : memref<40x128xi32, #tpu.memory_space<hbm>>) dst(%arg7 : memref<40x128xi32, #tpu.memory_space<vmem>>)
      tpu.yield
    }) : () -> ()
    %dma_start3A = arith.constant 0 : i32
    %dma_start3A_9 = arith.constant 0 : i32
    %dma_start3A_10 = arith.constant 0 : i32
    %dma_start3A_11 = arith.constant 0 : i32
    %dma_start3A_12 = tpu.memref_slice %arg8[%dma_start3A_9, %dma_start3A_10, %dma_start3A_11] : memref<2x128x128xf32, #tpu.memory_space<vmem>> -> memref<1x128x128xf32, #tpu.memory_space<vmem>>
    %dma_start3A_13 = tpu.memref_squeeze %dma_start3A_12 : memref<1x128x128xf32, #tpu.memory_space<vmem>> -> memref<128x128xf32, #tpu.memory_space<vmem>>
    %dma_start3A_14 = arith.constant 0 : i32
    %dma_start3A_15 = tpu.memref_slice %arg6[%dma_start3A, %dma_start3A_14] : memref<40x128xi32, #tpu.memory_space<vmem>> -> memref<1x128xi32, #tpu.memory_space<vmem>>
    %dma_start3A_16 = tpu.memref_squeeze %dma_start3A_15 : memref<1x128xi32, #tpu.memory_space<vmem>> -> memref<128xi32, #tpu.memory_space<vmem>>
    %dma_start3A_17 = arith.constant 0 : i32
    %dma_start3A_18 = arith.constant 0 : i32
    %dma_start3A_19 = tpu.memref_slice %arg2[%dma_start3A_17, %dma_start3A_18] : memref<20480x128xf32, #tpu.memory_space<hbm>> -> memref<20480x128xf32, #tpu.memory_space<hbm>>
    tpu.enqueue_indirect_dma source(%dma_start3A_19 : memref<20480x128xf32, #tpu.memory_space<hbm>>) target(%dma_start3A_13 : memref<128x128xf32, #tpu.memory_space<vmem>>) offsets(%dma_start3A_16 : memref<128xi32, #tpu.memory_space<vmem>>) semaphore(%arg10 : memref<!tpu.dma_semaphore, #tpu.memory_space<semaphore_mem>>)
    %scan3A = arith.constant 0 : i32
    %scan3A_20 = arith.constant 0 : i32
    %scan3A_21 = arith.constant 20 : i32
    %scan3A_22 = arith.addi %scan3A_20, %scan3A_21 : i32
    %scan3A_23 = arith.constant 1 : i32
    scf.for %scan3A_71 = %scan3A_20 to %scan3A_22 step %scan3A_23  : i32 {
      %mul3A_72 = arith.constant 2 : i32
      %mul3A_73 = arith.muli %mul3A_72, %scan3A_71 : i32
      %dma_wait3A_74 = arith.constant 0 : i32
      %dma_wait3A_75 = arith.constant 0 : i32
      %dma_wait3A_76 = arith.constant 0 : i32
      %dma_wait3A_77 = arith.constant 0 : i32
      %dma_wait3A_78 = tpu.memref_slice %arg8[%dma_wait3A_75, %dma_wait3A_76, %dma_wait3A_77] : memref<2x128x128xf32, #tpu.memory_space<vmem>> -> memref<1x128x128xf32, #tpu.memory_space<vmem>>
      %dma_wait3A_79 = tpu.memref_squeeze %dma_wait3A_78 : memref<1x128x128xf32, #tpu.memory_space<vmem>> -> memref<128x128xf32, #tpu.memory_space<vmem>>
      %dma_wait3A_80 = arith.constant 0 : i32
      %dma_wait3A_81 = tpu.memref_slice %arg6[%dma_wait3A_74, %dma_wait3A_80] : memref<40x128xi32, #tpu.memory_space<vmem>> -> memref<1x128xi32, #tpu.memory_space<vmem>>
      %dma_wait3A_82 = tpu.memref_squeeze %dma_wait3A_81 : memref<1x128xi32, #tpu.memory_space<vmem>> -> memref<128xi32, #tpu.memory_space<vmem>>
      %dma_wait3A_83 = arith.constant 0 : i32
      %dma_wait3A_84 = arith.constant 0 : i32
      %dma_wait3A_85 = tpu.memref_slice %arg2[%dma_wait3A_83, %dma_wait3A_84] : memref<20480x128xf32, #tpu.memory_space<hbm>> -> memref<20480x128xf32, #tpu.memory_space<hbm>>
      tpu.wait_indirect_dma semaphore(%arg10 : memref<!tpu.dma_semaphore, #tpu.memory_space<semaphore_mem>>) src(%dma_wait3A_85 : memref<20480x128xf32, #tpu.memory_space<hbm>>) dst(%dma_wait3A_79 : memref<128x128xf32, #tpu.memory_space<vmem>>)
      %add3A_86 = arith.constant 1 : i32
      %add3A_87 = arith.addi %mul3A_73, %add3A_86 : i32
      %dma_start3A_88 = arith.constant 1 : i32
      %dma_start3A_89 = arith.constant 0 : i32
      %dma_start3A_90 = arith.constant 0 : i32
      %dma_start3A_91 = tpu.memref_slice %arg8[%dma_start3A_88, %dma_start3A_89, %dma_start3A_90] : memref<2x128x128xf32, #tpu.memory_space<vmem>> -> memref<1x128x128xf32, #tpu.memory_space<vmem>>
      %dma_start3A_92 = tpu.memref_squeeze %dma_start3A_91 : memref<1x128x128xf32, #tpu.memory_space<vmem>> -> memref<128x128xf32, #tpu.memory_space<vmem>>
      %dma_start3A_93 = arith.constant 0 : i32
      %dma_start3A_94 = tpu.memref_slice %arg6[%add3A_87, %dma_start3A_93] : memref<40x128xi32, #tpu.memory_space<vmem>> -> memref<1x128xi32, #tpu.memory_space<vmem>>
      %dma_start3A_95 = tpu.memref_squeeze %dma_start3A_94 : memref<1x128xi32, #tpu.memory_space<vmem>> -> memref<128xi32, #tpu.memory_space<vmem>>
      %dma_start3A_96 = arith.constant 0 : i32
      %dma_start3A_97 = arith.constant 0 : i32
      %dma_start3A_98 = tpu.memref_slice %arg2[%dma_start3A_96, %dma_start3A_97] : memref<20480x128xf32, #tpu.memory_space<hbm>> -> memref<20480x128xf32, #tpu.memory_space<hbm>>
      tpu.enqueue_indirect_dma source(%dma_start3A_98 : memref<20480x128xf32, #tpu.memory_space<hbm>>) target(%dma_start3A_92 : memref<128x128xf32, #tpu.memory_space<vmem>>) offsets(%dma_start3A_95 : memref<128xi32, #tpu.memory_space<vmem>>) semaphore(%arg11 : memref<!tpu.dma_semaphore, #tpu.memory_space<semaphore_mem>>)
      %run_scoped3A = arith.constant 0 : i32
      "tpu.region"() ({
        %run_scoped3A_128 = tpu.sem_alloc : memref<!tpu.dma_semaphore, #tpu.memory_space<semaphore_mem>>
        %dma_start3A_129 = arith.constant 0 : i32
        %dma_start3A_130 = arith.constant 0 : i32
        %dma_start3A_131 = tpu.memref_slice %arg8[%run_scoped3A, %dma_start3A_129, %dma_start3A_130] : memref<2x128x128xf32, #tpu.memory_space<vmem>> -> memref<1x128x128xf32, #tpu.memory_space<vmem>>
        %dma_start3A_132 = tpu.memref_squeeze %dma_start3A_131 : memref<1x128x128xf32, #tpu.memory_space<vmem>> -> memref<128x128xf32, #tpu.memory_space<vmem>>
        %dma_start3A_133 = arith.constant 0 : i32
        %dma_start3A_134 = tpu.memref_slice %arg7[%mul3A_73, %dma_start3A_133] : memref<40x128xi32, #tpu.memory_space<vmem>> -> memref<1x128xi32, #tpu.memory_space<vmem>>
        %dma_start3A_135 = tpu.memref_squeeze %dma_start3A_134 : memref<1x128xi32, #tpu.memory_space<vmem>> -> memref<128xi32, #tpu.memory_space<vmem>>
        %dma_start3A_136 = arith.constant 0 : i32
        %dma_start3A_137 = arith.constant 0 : i32
        %dma_start3A_138 = tpu.memref_slice %arg9[%dma_start3A_136, %dma_start3A_137] : memref<10240x128xf32, #tpu.memory_space<vmem_shared>> -> memref<10240x128xf32, #tpu.memory_space<vmem_shared>>
        tpu.enqueue_indirect_dma source(%dma_start3A_132 : memref<128x128xf32, #tpu.memory_space<vmem>>) target(%dma_start3A_138 : memref<10240x128xf32, #tpu.memory_space<vmem_shared>>) offsets(%dma_start3A_135 : memref<128xi32, #tpu.memory_space<vmem>>) semaphore(%run_scoped3A_128 : memref<!tpu.dma_semaphore, #tpu.memory_space<semaphore_mem>>) {add = true}
        %dma_wait3A_139 = arith.constant 0 : i32
        %dma_wait3A_140 = arith.constant 0 : i32
        %dma_wait3A_141 = tpu.memref_slice %arg8[%run_scoped3A, %dma_wait3A_139, %dma_wait3A_140] : memref<2x128x128xf32, #tpu.memory_space<vmem>> -> memref<1x128x128xf32, #tpu.memory_space<vmem>>
        %dma_wait3A_142 = tpu.memref_squeeze %dma_wait3A_141 : memref<1x128x128xf32, #tpu.memory_space<vmem>> -> memref<128x128xf32, #tpu.memory_space<vmem>>
        %dma_wait3A_143 = arith.constant 0 : i32
        %dma_wait3A_144 = tpu.memref_slice %arg7[%mul3A_73, %dma_wait3A_143] : memref<40x128xi32, #tpu.memory_space<vmem>> -> memref<1x128xi32, #tpu.memory_space<vmem>>
        %dma_wait3A_145 = tpu.memref_squeeze %dma_wait3A_144 : memref<1x128xi32, #tpu.memory_space<vmem>> -> memref<128xi32, #tpu.memory_space<vmem>>
        %dma_wait3A_146 = arith.constant 0 : i32
        %dma_wait3A_147 = arith.constant 0 : i32
        %dma_wait3A_148 = tpu.memref_slice %arg9[%dma_wait3A_146, %dma_wait3A_147] : memref<10240x128xf32, #tpu.memory_space<vmem_shared>> -> memref<10240x128xf32, #tpu.memory_space<vmem_shared>>
        tpu.wait_indirect_dma semaphore(%run_scoped3A_128 : memref<!tpu.dma_semaphore, #tpu.memory_space<semaphore_mem>>) src(%dma_wait3A_142 : memref<128x128xf32, #tpu.memory_space<vmem>>) dst(%dma_wait3A_148 : memref<10240x128xf32, #tpu.memory_space<vmem_shared>>)
        tpu.yield
      }) : () -> ()
      %dma_wait3A_99 = arith.constant 0 : i32
      %dma_wait3A_100 = arith.constant 1 : i32
      %dma_wait3A_101 = arith.constant 0 : i32
      %dma_wait3A_102 = arith.constant 0 : i32
      %dma_wait3A_103 = tpu.memref_slice %arg8[%dma_wait3A_100, %dma_wait3A_101, %dma_wait3A_102] : memref<2x128x128xf32, #tpu.memory_space<vmem>> -> memref<1x128x128xf32, #tpu.memory_space<vmem>>
      %dma_wait3A_104 = tpu.memref_squeeze %dma_wait3A_103 : memref<1x128x128xf32, #tpu.memory_space<vmem>> -> memref<128x128xf32, #tpu.memory_space<vmem>>
      %dma_wait3A_105 = arith.constant 0 : i32
      %dma_wait3A_106 = tpu.memref_slice %arg6[%dma_wait3A_99, %dma_wait3A_105] : memref<40x128xi32, #tpu.memory_space<vmem>> -> memref<1x128xi32, #tpu.memory_space<vmem>>
      %dma_wait3A_107 = tpu.memref_squeeze %dma_wait3A_106 : memref<1x128xi32, #tpu.memory_space<vmem>> -> memref<128xi32, #tpu.memory_space<vmem>>
      %dma_wait3A_108 = arith.constant 0 : i32
      %dma_wait3A_109 = arith.constant 0 : i32
      %dma_wait3A_110 = tpu.memref_slice %arg2[%dma_wait3A_108, %dma_wait3A_109] : memref<20480x128xf32, #tpu.memory_space<hbm>> -> memref<20480x128xf32, #tpu.memory_space<hbm>>
      tpu.wait_indirect_dma semaphore(%arg11 : memref<!tpu.dma_semaphore, #tpu.memory_space<semaphore_mem>>) src(%dma_wait3A_110 : memref<20480x128xf32, #tpu.memory_space<hbm>>) dst(%dma_wait3A_104 : memref<128x128xf32, #tpu.memory_space<vmem>>)
      %add3A_111 = arith.constant 2 : i32
      %add3A_112 = arith.addi %mul3A_73, %add3A_111 : i32
      %rem3A = arith.constant 40 : i32
      %rem3A_113 = arith.remsi %add3A_112, %rem3A : i32
      %dma_start3A_114 = arith.constant 0 : i32
      %dma_start3A_115 = arith.constant 0 : i32
      %dma_start3A_116 = arith.constant 0 : i32
      %dma_start3A_117 = tpu.memref_slice %arg8[%dma_start3A_114, %dma_start3A_115, %dma_start3A_116] : memref<2x128x128xf32, #tpu.memory_space<vmem>> -> memref<1x128x128xf32, #tpu.memory_space<vmem>>
      %dma_start3A_118 = tpu.memref_squeeze %dma_start3A_117 : memref<1x128x128xf32, #tpu.memory_space<vmem>> -> memref<128x128xf32, #tpu.memory_space<vmem>>
      %dma_start3A_119 = arith.constant 0 : i32
      %dma_start3A_120 = tpu.memref_slice %arg6[%rem3A_113, %dma_start3A_119] : memref<40x128xi32, #tpu.memory_space<vmem>> -> memref<1x128xi32, #tpu.memory_space<vmem>>
      %dma_start3A_121 = tpu.memref_squeeze %dma_start3A_120 : memref<1x128xi32, #tpu.memory_space<vmem>> -> memref<128xi32, #tpu.memory_space<vmem>>
      %dma_start3A_122 = arith.constant 0 : i32
      %dma_start3A_123 = arith.constant 0 : i32
      %dma_start3A_124 = tpu.memref_slice %arg2[%dma_start3A_122, %dma_start3A_123] : memref<20480x128xf32, #tpu.memory_space<hbm>> -> memref<20480x128xf32, #tpu.memory_space<hbm>>
      tpu.enqueue_indirect_dma source(%dma_start3A_124 : memref<20480x128xf32, #tpu.memory_space<hbm>>) target(%dma_start3A_118 : memref<128x128xf32, #tpu.memory_space<vmem>>) offsets(%dma_start3A_121 : memref<128xi32, #tpu.memory_space<vmem>>) semaphore(%arg10 : memref<!tpu.dma_semaphore, #tpu.memory_space<semaphore_mem>>)
      %add3A_125 = arith.constant 1 : i32
      %add3A_126 = arith.addi %mul3A_73, %add3A_125 : i32
      %run_scoped3A_127 = arith.constant 1 : i32
      "tpu.region"() ({
        %run_scoped3A_128 = tpu.sem_alloc : memref<!tpu.dma_semaphore, #tpu.memory_space<semaphore_mem>>
        %dma_start3A_129 = arith.constant 0 : i32
        %dma_start3A_130 = arith.constant 0 : i32
        %dma_start3A_131 = tpu.memref_slice %arg8[%run_scoped3A_127, %dma_start3A_129, %dma_start3A_130] : memref<2x128x128xf32, #tpu.memory_space<vmem>> -> memref<1x128x128xf32, #tpu.memory_space<vmem>>
        %dma_start3A_132 = tpu.memref_squeeze %dma_start3A_131 : memref<1x128x128xf32, #tpu.memory_space<vmem>> -> memref<128x128xf32, #tpu.memory_space<vmem>>
        %dma_start3A_133 = arith.constant 0 : i32
        %dma_start3A_134 = tpu.memref_slice %arg7[%add3A_126, %dma_start3A_133] : memref<40x128xi32, #tpu.memory_space<vmem>> -> memref<1x128xi32, #tpu.memory_space<vmem>>
        %dma_start3A_135 = tpu.memref_squeeze %dma_start3A_134 : memref<1x128xi32, #tpu.memory_space<vmem>> -> memref<128xi32, #tpu.memory_space<vmem>>
        %dma_start3A_136 = arith.constant 0 : i32
        %dma_start3A_137 = arith.constant 0 : i32
        %dma_start3A_138 = tpu.memref_slice %arg9[%dma_start3A_136, %dma_start3A_137] : memref<10240x128xf32, #tpu.memory_space<vmem_shared>> -> memref<10240x128xf32, #tpu.memory_space<vmem_shared>>
        tpu.enqueue_indirect_dma source(%dma_start3A_132 : memref<128x128xf32, #tpu.memory_space<vmem>>) target(%dma_start3A_138 : memref<10240x128xf32, #tpu.memory_space<vmem_shared>>) offsets(%dma_start3A_135 : memref<128xi32, #tpu.memory_space<vmem>>) semaphore(%run_scoped3A_128 : memref<!tpu.dma_semaphore, #tpu.memory_space<semaphore_mem>>) {add = true}
        %dma_wait3A_139 = arith.constant 0 : i32
        %dma_wait3A_140 = arith.constant 0 : i32
        %dma_wait3A_141 = tpu.memref_slice %arg8[%run_scoped3A_127, %dma_wait3A_139, %dma_wait3A_140] : memref<2x128x128xf32, #tpu.memory_space<vmem>> -> memref<1x128x128xf32, #tpu.memory_space<vmem>>
        %dma_wait3A_142 = tpu.memref_squeeze %dma_wait3A_141 : memref<1x128x128xf32, #tpu.memory_space<vmem>> -> memref<128x128xf32, #tpu.memory_space<vmem>>
        %dma_wait3A_143 = arith.constant 0 : i32
        %dma_wait3A_144 = tpu.memref_slice %arg7[%add3A_126, %dma_wait3A_143] : memref<40x128xi32, #tpu.memory_space<vmem>> -> memref<1x128xi32, #tpu.memory_space<vmem>>
        %dma_wait3A_145 = tpu.memref_squeeze %dma_wait3A_144 : memref<1x128xi32, #tpu.memory_space<vmem>> -> memref<128xi32, #tpu.memory_space<vmem>>
        %dma_wait3A_146 = arith.constant 0 : i32
        %dma_wait3A_147 = arith.constant 0 : i32
        %dma_wait3A_148 = tpu.memref_slice %arg9[%dma_wait3A_146, %dma_wait3A_147] : memref<10240x128xf32, #tpu.memory_space<vmem_shared>> -> memref<10240x128xf32, #tpu.memory_space<vmem_shared>>
        tpu.wait_indirect_dma semaphore(%run_scoped3A_128 : memref<!tpu.dma_semaphore, #tpu.memory_space<semaphore_mem>>) src(%dma_wait3A_142 : memref<128x128xf32, #tpu.memory_space<vmem>>) dst(%dma_wait3A_148 : memref<10240x128xf32, #tpu.memory_space<vmem_shared>>)
        tpu.yield
      }) : () -> ()
    }
    %scan3A_24 = arith.constant 20 : i32
    %dma_wait3A = arith.constant 0 : i32
    %dma_wait3A_25 = arith.constant 0 : i32
    %dma_wait3A_26 = arith.constant 0 : i32
    %dma_wait3A_27 = arith.constant 0 : i32
    %dma_wait3A_28 = tpu.memref_slice %arg8[%dma_wait3A_25, %dma_wait3A_26, %dma_wait3A_27] : memref<2x128x128xf32, #tpu.memory_space<vmem>> -> memref<1x128x128xf32, #tpu.memory_space<vmem>>
    %dma_wait3A_29 = tpu.memref_squeeze %dma_wait3A_28 : memref<1x128x128xf32, #tpu.memory_space<vmem>> -> memref<128x128xf32, #tpu.memory_space<vmem>>
    %dma_wait3A_30 = arith.constant 0 : i32
    %dma_wait3A_31 = tpu.memref_slice %arg6[%dma_wait3A, %dma_wait3A_30] : memref<40x128xi32, #tpu.memory_space<vmem>> -> memref<1x128xi32, #tpu.memory_space<vmem>>
    %dma_wait3A_32 = tpu.memref_squeeze %dma_wait3A_31 : memref<1x128xi32, #tpu.memory_space<vmem>> -> memref<128xi32, #tpu.memory_space<vmem>>
    %dma_wait3A_33 = arith.constant 0 : i32
    %dma_wait3A_34 = arith.constant 0 : i32
    %dma_wait3A_35 = tpu.memref_slice %arg2[%dma_wait3A_33, %dma_wait3A_34] : memref<20480x128xf32, #tpu.memory_space<hbm>> -> memref<20480x128xf32, #tpu.memory_space<hbm>>
    tpu.wait_indirect_dma semaphore(%arg10 : memref<!tpu.dma_semaphore, #tpu.memory_space<semaphore_mem>>) src(%dma_wait3A_35 : memref<20480x128xf32, #tpu.memory_space<hbm>>) dst(%dma_wait3A_29 : memref<128x128xf32, #tpu.memory_space<vmem>>)
    "tpu.region"() ({
      %run_scoped3A = tpu.sem_alloc : memref<!tpu.dma_semaphore, #tpu.memory_space<semaphore_mem>>
      %dma_start3A_71 = arith.constant 40 : i32
      %dma_start3A_72 = arith.constant 0 : i32
      %dma_start3A_73 = tpu.memref_slice %arg3[%add3A_1, %arg1, %dma_start3A_71, %dma_start3A_72] : memref<2x16x80x128xi32, #tpu.memory_space<hbm>> -> memref<1x1x40x128xi32, #tpu.memory_space<hbm>>
      %dma_start3A_74 = tpu.memref_squeeze %dma_start3A_73 : memref<1x1x40x128xi32, #tpu.memory_space<hbm>> -> memref<40x128xi32, #tpu.memory_space<hbm>>
      %dma_start3A_75 = arith.constant 40 : i32
      %dma_start3A_76 = arith.constant 0 : i32
      %dma_start3A_77 = tpu.memref_slice %arg3[%add3A_1, %arg1, %dma_start3A_75, %dma_start3A_76] : memref<2x16x80x128xi32, #tpu.memory_space<hbm>> -> memref<1x1x40x128xi32, #tpu.memory_space<hbm>>
      %dma_start3A_78 = tpu.memref_squeeze %dma_start3A_77 : memref<1x1x40x128xi32, #tpu.memory_space<hbm>> -> memref<40x128xi32, #tpu.memory_space<hbm>>
      tpu.enqueue_dma source(%dma_start3A_78 : memref<40x128xi32, #tpu.memory_space<hbm>>) target(%arg6 : memref<40x128xi32, #tpu.memory_space<vmem>>) target_semaphore(%run_scoped3A : memref<!tpu.dma_semaphore, #tpu.memory_space<semaphore_mem>>)
      %dma_wait3A_79 = arith.constant 40 : i32
      %dma_wait3A_80 = arith.constant 0 : i32
      %dma_wait3A_81 = tpu.memref_slice %arg3[%add3A_1, %arg1, %dma_wait3A_79, %dma_wait3A_80] : memref<2x16x80x128xi32, #tpu.memory_space<hbm>> -> memref<1x1x40x128xi32, #tpu.memory_space<hbm>>
      %dma_wait3A_82 = tpu.memref_squeeze %dma_wait3A_81 : memref<1x1x40x128xi32, #tpu.memory_space<hbm>> -> memref<40x128xi32, #tpu.memory_space<hbm>>
      %dma_wait3A_83 = arith.constant 40 : i32
      %dma_wait3A_84 = arith.constant 0 : i32
      %dma_wait3A_85 = tpu.memref_slice %arg3[%add3A_1, %arg1, %dma_wait3A_83, %dma_wait3A_84] : memref<2x16x80x128xi32, #tpu.memory_space<hbm>> -> memref<1x1x40x128xi32, #tpu.memory_space<hbm>>
      %dma_wait3A_86 = tpu.memref_squeeze %dma_wait3A_85 : memref<1x1x40x128xi32, #tpu.memory_space<hbm>> -> memref<40x128xi32, #tpu.memory_space<hbm>>
      tpu.wait_dma2 semaphore(%run_scoped3A : memref<!tpu.dma_semaphore, #tpu.memory_space<semaphore_mem>>) src(%dma_wait3A_86 : memref<40x128xi32, #tpu.memory_space<hbm>>) dst(%arg6 : memref<40x128xi32, #tpu.memory_space<vmem>>)
      tpu.yield
    }) : () -> ()
    "tpu.region"() ({
      %run_scoped3A = tpu.sem_alloc : memref<!tpu.dma_semaphore, #tpu.memory_space<semaphore_mem>>
      %dma_start3A_71 = arith.constant 40 : i32
      %dma_start3A_72 = arith.constant 0 : i32
      %dma_start3A_73 = tpu.memref_slice %arg4[%arg1, %dma_start3A_71, %dma_start3A_72] : memref<16x80x128xi32, #tpu.memory_space<hbm>> -> memref<1x40x128xi32, #tpu.memory_space<hbm>>
      %dma_start3A_74 = tpu.memref_squeeze %dma_start3A_73 : memref<1x40x128xi32, #tpu.memory_space<hbm>> -> memref<40x128xi32, #tpu.memory_space<hbm>>
      %dma_start3A_75 = arith.constant 40 : i32
      %dma_start3A_76 = arith.constant 0 : i32
      %dma_start3A_77 = tpu.memref_slice %arg4[%arg1, %dma_start3A_75, %dma_start3A_76] : memref<16x80x128xi32, #tpu.memory_space<hbm>> -> memref<1x40x128xi32, #tpu.memory_space<hbm>>
      %dma_start3A_78 = tpu.memref_squeeze %dma_start3A_77 : memref<1x40x128xi32, #tpu.memory_space<hbm>> -> memref<40x128xi32, #tpu.memory_space<hbm>>
      tpu.enqueue_dma source(%dma_start3A_78 : memref<40x128xi32, #tpu.memory_space<hbm>>) target(%arg7 : memref<40x128xi32, #tpu.memory_space<vmem>>) target_semaphore(%run_scoped3A : memref<!tpu.dma_semaphore, #tpu.memory_space<semaphore_mem>>)
      %dma_wait3A_79 = arith.constant 40 : i32
      %dma_wait3A_80 = arith.constant 0 : i32
      %dma_wait3A_81 = tpu.memref_slice %arg4[%arg1, %dma_wait3A_79, %dma_wait3A_80] : memref<16x80x128xi32, #tpu.memory_space<hbm>> -> memref<1x40x128xi32, #tpu.memory_space<hbm>>
      %dma_wait3A_82 = tpu.memref_squeeze %dma_wait3A_81 : memref<1x40x128xi32, #tpu.memory_space<hbm>> -> memref<40x128xi32, #tpu.memory_space<hbm>>
      %dma_wait3A_83 = arith.constant 40 : i32
      %dma_wait3A_84 = arith.constant 0 : i32
      %dma_wait3A_85 = tpu.memref_slice %arg4[%arg1, %dma_wait3A_83, %dma_wait3A_84] : memref<16x80x128xi32, #tpu.memory_space<hbm>> -> memref<1x40x128xi32, #tpu.memory_space<hbm>>
      %dma_wait3A_86 = tpu.memref_squeeze %dma_wait3A_85 : memref<1x40x128xi32, #tpu.memory_space<hbm>> -> memref<40x128xi32, #tpu.memory_space<hbm>>
      tpu.wait_dma2 semaphore(%run_scoped3A : memref<!tpu.dma_semaphore, #tpu.memory_space<semaphore_mem>>) src(%dma_wait3A_86 : memref<40x128xi32, #tpu.memory_space<hbm>>) dst(%arg7 : memref<40x128xi32, #tpu.memory_space<vmem>>)
      tpu.yield
    }) : () -> ()
    %dma_start3A_36 = arith.constant 0 : i32
    %dma_start3A_37 = arith.constant 0 : i32
    %dma_start3A_38 = arith.constant 0 : i32
    %dma_start3A_39 = arith.constant 0 : i32
    %dma_start3A_40 = tpu.memref_slice %arg8[%dma_start3A_37, %dma_start3A_38, %dma_start3A_39] : memref<2x128x128xf32, #tpu.memory_space<vmem>> -> memref<1x128x128xf32, #tpu.memory_space<vmem>>
    %dma_start3A_41 = tpu.memref_squeeze %dma_start3A_40 : memref<1x128x128xf32, #tpu.memory_space<vmem>> -> memref<128x128xf32, #tpu.memory_space<vmem>>
    %dma_start3A_42 = arith.constant 0 : i32
    %dma_start3A_43 = tpu.memref_slice %arg6[%dma_start3A_36, %dma_start3A_42] : memref<40x128xi32, #tpu.memory_space<vmem>> -> memref<1x128xi32, #tpu.memory_space<vmem>>
    %dma_start3A_44 = tpu.memref_squeeze %dma_start3A_43 : memref<1x128xi32, #tpu.memory_space<vmem>> -> memref<128xi32, #tpu.memory_space<vmem>>
    %dma_start3A_45 = arith.constant 0 : i32
    %dma_start3A_46 = arith.constant 0 : i32
    %dma_start3A_47 = tpu.memref_slice %arg2[%dma_start3A_45, %dma_start3A_46] : memref<20480x128xf32, #tpu.memory_space<hbm>> -> memref<20480x128xf32, #tpu.memory_space<hbm>>
    tpu.enqueue_indirect_dma source(%dma_start3A_47 : memref<20480x128xf32, #tpu.memory_space<hbm>>) target(%dma_start3A_41 : memref<128x128xf32, #tpu.memory_space<vmem>>) offsets(%dma_start3A_44 : memref<128xi32, #tpu.memory_space<vmem>>) semaphore(%arg10 : memref<!tpu.dma_semaphore, #tpu.memory_space<semaphore_mem>>)
    %scan3A_48 = arith.constant 0 : i32
    %scan3A_49 = arith.constant 0 : i32
    %scan3A_50 = arith.constant 20 : i32
    %scan3A_51 = arith.addi %scan3A_49, %scan3A_50 : i32
    %scan3A_52 = arith.constant 1 : i32
    scf.for %scan3A_71 = %scan3A_49 to %scan3A_51 step %scan3A_52  : i32 {
      %mul3A_72 = arith.constant 2 : i32
      %mul3A_73 = arith.muli %mul3A_72, %scan3A_71 : i32
      %dma_wait3A_74 = arith.constant 0 : i32
      %dma_wait3A_75 = arith.constant 0 : i32
      %dma_wait3A_76 = arith.constant 0 : i32
      %dma_wait3A_77 = arith.constant 0 : i32
      %dma_wait3A_78 = tpu.memref_slice %arg8[%dma_wait3A_75, %dma_wait3A_76, %dma_wait3A_77] : memref<2x128x128xf32, #tpu.memory_space<vmem>> -> memref<1x128x128xf32, #tpu.memory_space<vmem>>
      %dma_wait3A_79 = tpu.memref_squeeze %dma_wait3A_78 : memref<1x128x128xf32, #tpu.memory_space<vmem>> -> memref<128x128xf32, #tpu.memory_space<vmem>>
      %dma_wait3A_80 = arith.constant 0 : i32
      %dma_wait3A_81 = tpu.memref_slice %arg6[%dma_wait3A_74, %dma_wait3A_80] : memref<40x128xi32, #tpu.memory_space<vmem>> -> memref<1x128xi32, #tpu.memory_space<vmem>>
      %dma_wait3A_82 = tpu.memref_squeeze %dma_wait3A_81 : memref<1x128xi32, #tpu.memory_space<vmem>> -> memref<128xi32, #tpu.memory_space<vmem>>
      %dma_wait3A_83 = arith.constant 0 : i32
      %dma_wait3A_84 = arith.constant 0 : i32
      %dma_wait3A_85 = tpu.memref_slice %arg2[%dma_wait3A_83, %dma_wait3A_84] : memref<20480x128xf32, #tpu.memory_space<hbm>> -> memref<20480x128xf32, #tpu.memory_space<hbm>>
      tpu.wait_indirect_dma semaphore(%arg10 : memref<!tpu.dma_semaphore, #tpu.memory_space<semaphore_mem>>) src(%dma_wait3A_85 : memref<20480x128xf32, #tpu.memory_space<hbm>>) dst(%dma_wait3A_79 : memref<128x128xf32, #tpu.memory_space<vmem>>)
      %add3A_86 = arith.constant 1 : i32
      %add3A_87 = arith.addi %mul3A_73, %add3A_86 : i32
      %dma_start3A_88 = arith.constant 1 : i32
      %dma_start3A_89 = arith.constant 0 : i32
      %dma_start3A_90 = arith.constant 0 : i32
      %dma_start3A_91 = tpu.memref_slice %arg8[%dma_start3A_88, %dma_start3A_89, %dma_start3A_90] : memref<2x128x128xf32, #tpu.memory_space<vmem>> -> memref<1x128x128xf32, #tpu.memory_space<vmem>>
      %dma_start3A_92 = tpu.memref_squeeze %dma_start3A_91 : memref<1x128x128xf32, #tpu.memory_space<vmem>> -> memref<128x128xf32, #tpu.memory_space<vmem>>
      %dma_start3A_93 = arith.constant 0 : i32
      %dma_start3A_94 = tpu.memref_slice %arg6[%add3A_87, %dma_start3A_93] : memref<40x128xi32, #tpu.memory_space<vmem>> -> memref<1x128xi32, #tpu.memory_space<vmem>>
      %dma_start3A_95 = tpu.memref_squeeze %dma_start3A_94 : memref<1x128xi32, #tpu.memory_space<vmem>> -> memref<128xi32, #tpu.memory_space<vmem>>
      %dma_start3A_96 = arith.constant 0 : i32
      %dma_start3A_97 = arith.constant 0 : i32
      %dma_start3A_98 = tpu.memref_slice %arg2[%dma_start3A_96, %dma_start3A_97] : memref<20480x128xf32, #tpu.memory_space<hbm>> -> memref<20480x128xf32, #tpu.memory_space<hbm>>
      tpu.enqueue_indirect_dma source(%dma_start3A_98 : memref<20480x128xf32, #tpu.memory_space<hbm>>) target(%dma_start3A_92 : memref<128x128xf32, #tpu.memory_space<vmem>>) offsets(%dma_start3A_95 : memref<128xi32, #tpu.memory_space<vmem>>) semaphore(%arg11 : memref<!tpu.dma_semaphore, #tpu.memory_space<semaphore_mem>>)
      %run_scoped3A = arith.constant 0 : i32
      "tpu.region"() ({
        %run_scoped3A_128 = tpu.sem_alloc : memref<!tpu.dma_semaphore, #tpu.memory_space<semaphore_mem>>
        %dma_start3A_129 = arith.constant 0 : i32
        %dma_start3A_130 = arith.constant 0 : i32
        %dma_start3A_131 = tpu.memref_slice %arg8[%run_scoped3A, %dma_start3A_129, %dma_start3A_130] : memref<2x128x128xf32, #tpu.memory_space<vmem>> -> memref<1x128x128xf32, #tpu.memory_space<vmem>>
        %dma_start3A_132 = tpu.memref_squeeze %dma_start3A_131 : memref<1x128x128xf32, #tpu.memory_space<vmem>> -> memref<128x128xf32, #tpu.memory_space<vmem>>
        %dma_start3A_133 = arith.constant 0 : i32
        %dma_start3A_134 = tpu.memref_slice %arg7[%mul3A_73, %dma_start3A_133] : memref<40x128xi32, #tpu.memory_space<vmem>> -> memref<1x128xi32, #tpu.memory_space<vmem>>
        %dma_start3A_135 = tpu.memref_squeeze %dma_start3A_134 : memref<1x128xi32, #tpu.memory_space<vmem>> -> memref<128xi32, #tpu.memory_space<vmem>>
        %dma_start3A_136 = arith.constant 0 : i32
        %dma_start3A_137 = arith.constant 0 : i32
        %dma_start3A_138 = tpu.memref_slice %arg9[%dma_start3A_136, %dma_start3A_137] : memref<10240x128xf32, #tpu.memory_space<vmem_shared>> -> memref<10240x128xf32, #tpu.memory_space<vmem_shared>>
        tpu.enqueue_indirect_dma source(%dma_start3A_132 : memref<128x128xf32, #tpu.memory_space<vmem>>) target(%dma_start3A_138 : memref<10240x128xf32, #tpu.memory_space<vmem_shared>>) offsets(%dma_start3A_135 : memref<128xi32, #tpu.memory_space<vmem>>) semaphore(%run_scoped3A_128 : memref<!tpu.dma_semaphore, #tpu.memory_space<semaphore_mem>>) {add = true}
        %dma_wait3A_139 = arith.constant 0 : i32
        %dma_wait3A_140 = arith.constant 0 : i32
        %dma_wait3A_141 = tpu.memref_slice %arg8[%run_scoped3A, %dma_wait3A_139, %dma_wait3A_140] : memref<2x128x128xf32, #tpu.memory_space<vmem>> -> memref<1x128x128xf32, #tpu.memory_space<vmem>>
        %dma_wait3A_142 = tpu.memref_squeeze %dma_wait3A_141 : memref<1x128x128xf32, #tpu.memory_space<vmem>> -> memref<128x128xf32, #tpu.memory_space<vmem>>
        %dma_wait3A_143 = arith.constant 0 : i32
        %dma_wait3A_144 = tpu.memref_slice %arg7[%mul3A_73, %dma_wait3A_143] : memref<40x128xi32, #tpu.memory_space<vmem>> -> memref<1x128xi32, #tpu.memory_space<vmem>>
        %dma_wait3A_145 = tpu.memref_squeeze %dma_wait3A_144 : memref<1x128xi32, #tpu.memory_space<vmem>> -> memref<128xi32, #tpu.memory_space<vmem>>
        %dma_wait3A_146 = arith.constant 0 : i32
        %dma_wait3A_147 = arith.constant 0 : i32
        %dma_wait3A_148 = tpu.memref_slice %arg9[%dma_wait3A_146, %dma_wait3A_147] : memref<10240x128xf32, #tpu.memory_space<vmem_shared>> -> memref<10240x128xf32, #tpu.memory_space<vmem_shared>>
        tpu.wait_indirect_dma semaphore(%run_scoped3A_128 : memref<!tpu.dma_semaphore, #tpu.memory_space<semaphore_mem>>) src(%dma_wait3A_142 : memref<128x128xf32, #tpu.memory_space<vmem>>) dst(%dma_wait3A_148 : memref<10240x128xf32, #tpu.memory_space<vmem_shared>>)
        tpu.yield
      }) : () -> ()
      %dma_wait3A_99 = arith.constant 0 : i32
      %dma_wait3A_100 = arith.constant 1 : i32
      %dma_wait3A_101 = arith.constant 0 : i32
      %dma_wait3A_102 = arith.constant 0 : i32
      %dma_wait3A_103 = tpu.memref_slice %arg8[%dma_wait3A_100, %dma_wait3A_101, %dma_wait3A_102] : memref<2x128x128xf32, #tpu.memory_space<vmem>> -> memref<1x128x128xf32, #tpu.memory_space<vmem>>
      %dma_wait3A_104 = tpu.memref_squeeze %dma_wait3A_103 : memref<1x128x128xf32, #tpu.memory_space<vmem>> -> memref<128x128xf32, #tpu.memory_space<vmem>>
      %dma_wait3A_105 = arith.constant 0 : i32
      %dma_wait3A_106 = tpu.memref_slice %arg6[%dma_wait3A_99, %dma_wait3A_105] : memref<40x128xi32, #tpu.memory_space<vmem>> -> memref<1x128xi32, #tpu.memory_space<vmem>>
      %dma_wait3A_107 = tpu.memref_squeeze %dma_wait3A_106 : memref<1x128xi32, #tpu.memory_space<vmem>> -> memref<128xi32, #tpu.memory_space<vmem>>
      %dma_wait3A_108 = arith.constant 0 : i32
      %dma_wait3A_109 = arith.constant 0 : i32
      %dma_wait3A_110 = tpu.memref_slice %arg2[%dma_wait3A_108, %dma_wait3A_109] : memref<20480x128xf32, #tpu.memory_space<hbm>> -> memref<20480x128xf32, #tpu.memory_space<hbm>>
      tpu.wait_indirect_dma semaphore(%arg11 : memref<!tpu.dma_semaphore, #tpu.memory_space<semaphore_mem>>) src(%dma_wait3A_110 : memref<20480x128xf32, #tpu.memory_space<hbm>>) dst(%dma_wait3A_104 : memref<128x128xf32, #tpu.memory_space<vmem>>)
      %add3A_111 = arith.constant 2 : i32
      %add3A_112 = arith.addi %mul3A_73, %add3A_111 : i32
      %rem3A = arith.constant 40 : i32
      %rem3A_113 = arith.remsi %add3A_112, %rem3A : i32
      %dma_start3A_114 = arith.constant 0 : i32
      %dma_start3A_115 = arith.constant 0 : i32
      %dma_start3A_116 = arith.constant 0 : i32
      %dma_start3A_117 = tpu.memref_slice %arg8[%dma_start3A_114, %dma_start3A_115, %dma_start3A_116] : memref<2x128x128xf32, #tpu.memory_space<vmem>> -> memref<1x128x128xf32, #tpu.memory_space<vmem>>
      %dma_start3A_118 = tpu.memref_squeeze %dma_start3A_117 : memref<1x128x128xf32, #tpu.memory_space<vmem>> -> memref<128x128xf32, #tpu.memory_space<vmem>>
      %dma_start3A_119 = arith.constant 0 : i32
      %dma_start3A_120 = tpu.memref_slice %arg6[%rem3A_113, %dma_start3A_119] : memref<40x128xi32, #tpu.memory_space<vmem>> -> memref<1x128xi32, #tpu.memory_space<vmem>>
      %dma_start3A_121 = tpu.memref_squeeze %dma_start3A_120 : memref<1x128xi32, #tpu.memory_space<vmem>> -> memref<128xi32, #tpu.memory_space<vmem>>
      %dma_start3A_122 = arith.constant 0 : i32
      %dma_start3A_123 = arith.constant 0 : i32
      %dma_start3A_124 = tpu.memref_slice %arg2[%dma_start3A_122, %dma_start3A_123] : memref<20480x128xf32, #tpu.memory_space<hbm>> -> memref<20480x128xf32, #tpu.memory_space<hbm>>
      tpu.enqueue_indirect_dma source(%dma_start3A_124 : memref<20480x128xf32, #tpu.memory_space<hbm>>) target(%dma_start3A_118 : memref<128x128xf32, #tpu.memory_space<vmem>>) offsets(%dma_start3A_121 : memref<128xi32, #tpu.memory_space<vmem>>) semaphore(%arg10 : memref<!tpu.dma_semaphore, #tpu.memory_space<semaphore_mem>>)
      %add3A_125 = arith.constant 1 : i32
      %add3A_126 = arith.addi %mul3A_73, %add3A_125 : i32
      %run_scoped3A_127 = arith.constant 1 : i32
      "tpu.region"() ({
        %run_scoped3A_128 = tpu.sem_alloc : memref<!tpu.dma_semaphore, #tpu.memory_space<semaphore_mem>>
        %dma_start3A_129 = arith.constant 0 : i32
        %dma_start3A_130 = arith.constant 0 : i32
        %dma_start3A_131 = tpu.memref_slice %arg8[%run_scoped3A_127, %dma_start3A_129, %dma_start3A_130] : memref<2x128x128xf32, #tpu.memory_space<vmem>> -> memref<1x128x128xf32, #tpu.memory_space<vmem>>
        %dma_start3A_132 = tpu.memref_squeeze %dma_start3A_131 : memref<1x128x128xf32, #tpu.memory_space<vmem>> -> memref<128x128xf32, #tpu.memory_space<vmem>>
        %dma_start3A_133 = arith.constant 0 : i32
        %dma_start3A_134 = tpu.memref_slice %arg7[%add3A_126, %dma_start3A_133] : memref<40x128xi32, #tpu.memory_space<vmem>> -> memref<1x128xi32, #tpu.memory_space<vmem>>
        %dma_start3A_135 = tpu.memref_squeeze %dma_start3A_134 : memref<1x128xi32, #tpu.memory_space<vmem>> -> memref<128xi32, #tpu.memory_space<vmem>>
        %dma_start3A_136 = arith.constant 0 : i32
        %dma_start3A_137 = arith.constant 0 : i32
        %dma_start3A_138 = tpu.memref_slice %arg9[%dma_start3A_136, %dma_start3A_137] : memref<10240x128xf32, #tpu.memory_space<vmem_shared>> -> memref<10240x128xf32, #tpu.memory_space<vmem_shared>>
        tpu.enqueue_indirect_dma source(%dma_start3A_132 : memref<128x128xf32, #tpu.memory_space<vmem>>) target(%dma_start3A_138 : memref<10240x128xf32, #tpu.memory_space<vmem_shared>>) offsets(%dma_start3A_135 : memref<128xi32, #tpu.memory_space<vmem>>) semaphore(%run_scoped3A_128 : memref<!tpu.dma_semaphore, #tpu.memory_space<semaphore_mem>>) {add = true}
        %dma_wait3A_139 = arith.constant 0 : i32
        %dma_wait3A_140 = arith.constant 0 : i32
        %dma_wait3A_141 = tpu.memref_slice %arg8[%run_scoped3A_127, %dma_wait3A_139, %dma_wait3A_140] : memref<2x128x128xf32, #tpu.memory_space<vmem>> -> memref<1x128x128xf32, #tpu.memory_space<vmem>>
        %dma_wait3A_142 = tpu.memref_squeeze %dma_wait3A_141 : memref<1x128x128xf32, #tpu.memory_space<vmem>> -> memref<128x128xf32, #tpu.memory_space<vmem>>
        %dma_wait3A_143 = arith.constant 0 : i32
        %dma_wait3A_144 = tpu.memref_slice %arg7[%add3A_126, %dma_wait3A_143] : memref<40x128xi32, #tpu.memory_space<vmem>> -> memref<1x128xi32, #tpu.memory_space<vmem>>
        %dma_wait3A_145 = tpu.memref_squeeze %dma_wait3A_144 : memref<1x128xi32, #tpu.memory_space<vmem>> -> memref<128xi32, #tpu.memory_space<vmem>>
        %dma_wait3A_146 = arith.constant 0 : i32
        %dma_wait3A_147 = arith.constant 0 : i32
        %dma_wait3A_148 = tpu.memref_slice %arg9[%dma_wait3A_146, %dma_wait3A_147] : memref<10240x128xf32, #tpu.memory_space<vmem_shared>> -> memref<10240x128xf32, #tpu.memory_space<vmem_shared>>
        tpu.wait_indirect_dma semaphore(%run_scoped3A_128 : memref<!tpu.dma_semaphore, #tpu.memory_space<semaphore_mem>>) src(%dma_wait3A_142 : memref<128x128xf32, #tpu.memory_space<vmem>>) dst(%dma_wait3A_148 : memref<10240x128xf32, #tpu.memory_space<vmem_shared>>)
        tpu.yield
      }) : () -> ()
    }
    %scan3A_53 = arith.constant 20 : i32
    %dma_wait3A_54 = arith.constant 0 : i32
    %dma_wait3A_55 = arith.constant 0 : i32
    %dma_wait3A_56 = arith.constant 0 : i32
    %dma_wait3A_57 = arith.constant 0 : i32
    %dma_wait3A_58 = tpu.memref_slice %arg8[%dma_wait3A_55, %dma_wait3A_56, %dma_wait3A_57] : memref<2x128x128xf32, #tpu.memory_space<vmem>> -> memref<1x128x128xf32, #tpu.memory_space<vmem>>
    %dma_wait3A_59 = tpu.memref_squeeze %dma_wait3A_58 : memref<1x128x128xf32, #tpu.memory_space<vmem>> -> memref<128x128xf32, #tpu.memory_space<vmem>>
    %dma_wait3A_60 = arith.constant 0 : i32
    %dma_wait3A_61 = tpu.memref_slice %arg6[%dma_wait3A_54, %dma_wait3A_60] : memref<40x128xi32, #tpu.memory_space<vmem>> -> memref<1x128xi32, #tpu.memory_space<vmem>>
    %dma_wait3A_62 = tpu.memref_squeeze %dma_wait3A_61 : memref<1x128xi32, #tpu.memory_space<vmem>> -> memref<128xi32, #tpu.memory_space<vmem>>
    %dma_wait3A_63 = arith.constant 0 : i32
    %dma_wait3A_64 = arith.constant 0 : i32
    %dma_wait3A_65 = tpu.memref_slice %arg2[%dma_wait3A_63, %dma_wait3A_64] : memref<20480x128xf32, #tpu.memory_space<hbm>> -> memref<20480x128xf32, #tpu.memory_space<hbm>>
    tpu.wait_indirect_dma semaphore(%arg10 : memref<!tpu.dma_semaphore, #tpu.memory_space<semaphore_mem>>) src(%dma_wait3A_65 : memref<20480x128xf32, #tpu.memory_space<hbm>>) dst(%dma_wait3A_59 : memref<128x128xf32, #tpu.memory_space<vmem>>)
    %barrier3A_66 = arith.constant 0 : index
    tpu.barrier barrier_id(%barrier3A_66)
    %mul3A_67 = arith.constant 640 : i32
    %mul3A_68 = arith.muli %arg1, %mul3A_67 : i32
    %mul3A_69 = arith.constant 640 : i32
    %mul3A_70 = arith.muli %arg1, %mul3A_69 : i32
    "tpu.region"() ({
      %run_scoped3A = tpu.sem_alloc : memref<!tpu.dma_semaphore, #tpu.memory_space<semaphore_mem>>
      %dma_start3A_71 = arith.constant 0 : i32
      %dma_start3A_72 = tpu.memref_slice %arg5[%add3A_1, %mul3A_70, %dma_start3A_71] : memref<2x10240x128xf32, #tpu.memory_space<hbm>> -> memref<1x640x128xf32, #tpu.memory_space<hbm>>
      %dma_start3A_73 = tpu.memref_squeeze %dma_start3A_72 : memref<1x640x128xf32, #tpu.memory_space<hbm>> -> memref<640x128xf32, #tpu.memory_space<hbm>>
      %dma_start3A_74 = arith.constant 0 : i32
      %dma_start3A_75 = tpu.memref_slice %arg9[%mul3A_68, %dma_start3A_74] : memref<10240x128xf32, #tpu.memory_space<vmem_shared>> -> memref<640x128xf32, #tpu.memory_space<vmem_shared>>
      tpu.enqueue_dma source(%dma_start3A_75 : memref<640x128xf32, #tpu.memory_space<vmem_shared>>) target(%dma_start3A_73 : memref<640x128xf32, #tpu.memory_space<hbm>>) target_semaphore(%run_scoped3A : memref<!tpu.dma_semaphore, #tpu.memory_space<semaphore_mem>>)
      %dma_wait3A_76 = arith.constant 0 : i32
      %dma_wait3A_77 = tpu.memref_slice %arg5[%add3A_1, %mul3A_70, %dma_wait3A_76] : memref<2x10240x128xf32, #tpu.memory_space<hbm>> -> memref<1x640x128xf32, #tpu.memory_space<hbm>>
      %dma_wait3A_78 = tpu.memref_squeeze %dma_wait3A_77 : memref<1x640x128xf32, #tpu.memory_space<hbm>> -> memref<640x128xf32, #tpu.memory_space<hbm>>
      %dma_wait3A_79 = arith.constant 0 : i32
      %dma_wait3A_80 = tpu.memref_slice %arg9[%mul3A_68, %dma_wait3A_79] : memref<10240x128xf32, #tpu.memory_space<vmem_shared>> -> memref<640x128xf32, #tpu.memory_space<vmem_shared>>
      tpu.wait_dma2 semaphore(%run_scoped3A : memref<!tpu.dma_semaphore, #tpu.memory_space<semaphore_mem>>) src(%dma_wait3A_80 : memref<640x128xf32, #tpu.memory_space<vmem_shared>>) dst(%dma_wait3A_78 : memref<640x128xf32, #tpu.memory_space<hbm>>)
      tpu.yield
    }) : () -> ()
    return
  }
}

#map = affine_map<(d0, d1) -> (0, 0, 0, 0)>
#map1 = affine_map<(d0, d1) -> (0, 0)>
#map2 = affine_map<(d0, d1) -> (0, 0, 0)>
module attributes {stable_mosaic.version = 14 : i64} {
  func.func @_deg_kernel(%arg0: i32, %arg1: i32, %arg2: memref<16x2x40x128xi32, #tpu.memory_space<hbm>>, %arg3: memref<10240x128xf32, #tpu.memory_space<hbm>>, %arg4: memref<2x10240x128xf32, #tpu.memory_space<hbm>>, %arg5: memref<40x128xi32, #tpu.memory_space<vmem>>, %arg6: memref<128x128xf32, #tpu.memory_space<vmem>>, %arg7: memref<10240x128xf32, #tpu.memory_space<vmem_shared>>) attributes {dimension_semantics = [#tpu.dimension_semantics<core_parallel>, #tpu.dimension_semantics<subcore_parallel>], iteration_bounds = array<i64: 2, 16>, scalar_prefetch = 0 : i64, scratch_operands = 3 : i64, tpu.core_type = #tpu.core_type<sc_vector_subcore>, window_params = [{transform_indices = #map}, {transform_indices = #map1}, {transform_indices = #map2}]} {
    "tpu.region"() ({
      %run_scoped3A = tpu.sem_alloc : memref<!tpu.dma_semaphore, #tpu.memory_space<semaphore_mem>>
      %dma_start3A = arith.constant 0 : i32
      %dma_start3A_13 = arith.constant 0 : i32
      %dma_start3A_14 = tpu.memref_slice %arg2[%arg1, %arg0, %dma_start3A, %dma_start3A_13] : memref<16x2x40x128xi32, #tpu.memory_space<hbm>> -> memref<1x1x40x128xi32, #tpu.memory_space<hbm>>
      %dma_start3A_15 = tpu.memref_squeeze %dma_start3A_14 : memref<1x1x40x128xi32, #tpu.memory_space<hbm>> -> memref<40x128xi32, #tpu.memory_space<hbm>>
      %dma_start3A_16 = arith.constant 0 : i32
      %dma_start3A_17 = arith.constant 0 : i32
      %dma_start3A_18 = tpu.memref_slice %arg2[%arg1, %arg0, %dma_start3A_16, %dma_start3A_17] : memref<16x2x40x128xi32, #tpu.memory_space<hbm>> -> memref<1x1x40x128xi32, #tpu.memory_space<hbm>>
      %dma_start3A_19 = tpu.memref_squeeze %dma_start3A_18 : memref<1x1x40x128xi32, #tpu.memory_space<hbm>> -> memref<40x128xi32, #tpu.memory_space<hbm>>
      tpu.enqueue_dma source(%dma_start3A_19 : memref<40x128xi32, #tpu.memory_space<hbm>>) target(%arg5 : memref<40x128xi32, #tpu.memory_space<vmem>>) target_semaphore(%run_scoped3A : memref<!tpu.dma_semaphore, #tpu.memory_space<semaphore_mem>>)
      %dma_wait3A = arith.constant 0 : i32
      %dma_wait3A_20 = arith.constant 0 : i32
      %dma_wait3A_21 = tpu.memref_slice %arg2[%arg1, %arg0, %dma_wait3A, %dma_wait3A_20] : memref<16x2x40x128xi32, #tpu.memory_space<hbm>> -> memref<1x1x40x128xi32, #tpu.memory_space<hbm>>
      %dma_wait3A_22 = tpu.memref_squeeze %dma_wait3A_21 : memref<1x1x40x128xi32, #tpu.memory_space<hbm>> -> memref<40x128xi32, #tpu.memory_space<hbm>>
      %dma_wait3A_23 = arith.constant 0 : i32
      %dma_wait3A_24 = arith.constant 0 : i32
      %dma_wait3A_25 = tpu.memref_slice %arg2[%arg1, %arg0, %dma_wait3A_23, %dma_wait3A_24] : memref<16x2x40x128xi32, #tpu.memory_space<hbm>> -> memref<1x1x40x128xi32, #tpu.memory_space<hbm>>
      %dma_wait3A_26 = tpu.memref_squeeze %dma_wait3A_25 : memref<1x1x40x128xi32, #tpu.memory_space<hbm>> -> memref<40x128xi32, #tpu.memory_space<hbm>>
      tpu.wait_dma2 semaphore(%run_scoped3A : memref<!tpu.dma_semaphore, #tpu.memory_space<semaphore_mem>>) src(%dma_wait3A_26 : memref<40x128xi32, #tpu.memory_space<hbm>>) dst(%arg5 : memref<40x128xi32, #tpu.memory_space<vmem>>)
      tpu.yield
    }) : () -> ()
    "tpu.region"() ({
      %run_scoped3A = tpu.sem_alloc : memref<!tpu.dma_semaphore, #tpu.memory_space<semaphore_mem>>
      %dma_start3A = arith.constant 0 : i32
      %dma_start3A_13 = arith.constant 0 : i32
      %dma_start3A_14 = tpu.memref_slice %arg3[%dma_start3A, %dma_start3A_13] : memref<10240x128xf32, #tpu.memory_space<hbm>> -> memref<128x128xf32, #tpu.memory_space<hbm>>
      %dma_start3A_15 = arith.constant 0 : i32
      %dma_start3A_16 = arith.constant 0 : i32
      %dma_start3A_17 = tpu.memref_slice %arg3[%dma_start3A_15, %dma_start3A_16] : memref<10240x128xf32, #tpu.memory_space<hbm>> -> memref<128x128xf32, #tpu.memory_space<hbm>>
      tpu.enqueue_dma source(%dma_start3A_17 : memref<128x128xf32, #tpu.memory_space<hbm>>) target(%arg6 : memref<128x128xf32, #tpu.memory_space<vmem>>) target_semaphore(%run_scoped3A : memref<!tpu.dma_semaphore, #tpu.memory_space<semaphore_mem>>)
      %dma_wait3A = arith.constant 0 : i32
      %dma_wait3A_18 = arith.constant 0 : i32
      %dma_wait3A_19 = tpu.memref_slice %arg3[%dma_wait3A, %dma_wait3A_18] : memref<10240x128xf32, #tpu.memory_space<hbm>> -> memref<128x128xf32, #tpu.memory_space<hbm>>
      %dma_wait3A_20 = arith.constant 0 : i32
      %dma_wait3A_21 = arith.constant 0 : i32
      %dma_wait3A_22 = tpu.memref_slice %arg3[%dma_wait3A_20, %dma_wait3A_21] : memref<10240x128xf32, #tpu.memory_space<hbm>> -> memref<128x128xf32, #tpu.memory_space<hbm>>
      tpu.wait_dma2 semaphore(%run_scoped3A : memref<!tpu.dma_semaphore, #tpu.memory_space<semaphore_mem>>) src(%dma_wait3A_22 : memref<128x128xf32, #tpu.memory_space<hbm>>) dst(%arg6 : memref<128x128xf32, #tpu.memory_space<vmem>>)
      tpu.yield
    }) : () -> ()
    %mul3A = arith.constant 640 : i32
    %mul3A_0 = arith.muli %arg1, %mul3A : i32
    %mul3A_1 = arith.constant 640 : i32
    %mul3A_2 = arith.muli %arg1, %mul3A_1 : i32
    "tpu.region"() ({
      %run_scoped3A = tpu.sem_alloc : memref<!tpu.dma_semaphore, #tpu.memory_space<semaphore_mem>>
      %dma_start3A = arith.constant 0 : i32
      %dma_start3A_13 = tpu.memref_slice %arg7[%mul3A_2, %dma_start3A] : memref<10240x128xf32, #tpu.memory_space<vmem_shared>> -> memref<640x128xf32, #tpu.memory_space<vmem_shared>>
      %dma_start3A_14 = arith.constant 0 : i32
      %dma_start3A_15 = tpu.memref_slice %arg3[%mul3A_0, %dma_start3A_14] : memref<10240x128xf32, #tpu.memory_space<hbm>> -> memref<640x128xf32, #tpu.memory_space<hbm>>
      tpu.enqueue_dma source(%dma_start3A_15 : memref<640x128xf32, #tpu.memory_space<hbm>>) target(%dma_start3A_13 : memref<640x128xf32, #tpu.memory_space<vmem_shared>>) target_semaphore(%run_scoped3A : memref<!tpu.dma_semaphore, #tpu.memory_space<semaphore_mem>>)
      %dma_wait3A = arith.constant 0 : i32
      %dma_wait3A_16 = tpu.memref_slice %arg7[%mul3A_2, %dma_wait3A] : memref<10240x128xf32, #tpu.memory_space<vmem_shared>> -> memref<640x128xf32, #tpu.memory_space<vmem_shared>>
      %dma_wait3A_17 = arith.constant 0 : i32
      %dma_wait3A_18 = tpu.memref_slice %arg3[%mul3A_0, %dma_wait3A_17] : memref<10240x128xf32, #tpu.memory_space<hbm>> -> memref<640x128xf32, #tpu.memory_space<hbm>>
      tpu.wait_dma2 semaphore(%run_scoped3A : memref<!tpu.dma_semaphore, #tpu.memory_space<semaphore_mem>>) src(%dma_wait3A_18 : memref<640x128xf32, #tpu.memory_space<hbm>>) dst(%dma_wait3A_16 : memref<640x128xf32, #tpu.memory_space<vmem_shared>>)
      tpu.yield
    }) : () -> ()
    %barrier3A = arith.constant 0 : index
    tpu.barrier barrier_id(%barrier3A)
    %scan3A = arith.constant 0 : i32
    %scan3A_3 = arith.constant 0 : i32
    %scan3A_4 = arith.constant 40 : i32
    %scan3A_5 = arith.addi %scan3A_3, %scan3A_4 : i32
    %scan3A_6 = arith.constant 1 : i32
    scf.for %scan3A_13 = %scan3A_3 to %scan3A_5 step %scan3A_6  : i32 {
      "tpu.region"() ({
        %run_scoped3A = tpu.sem_alloc : memref<!tpu.dma_semaphore, #tpu.memory_space<semaphore_mem>>
        %dma_start3A = arith.constant 0 : i32
        %dma_start3A_14 = tpu.memref_slice %arg5[%scan3A_13, %dma_start3A] : memref<40x128xi32, #tpu.memory_space<vmem>> -> memref<1x128xi32, #tpu.memory_space<vmem>>
        %dma_start3A_15 = tpu.memref_squeeze %dma_start3A_14 : memref<1x128xi32, #tpu.memory_space<vmem>> -> memref<128xi32, #tpu.memory_space<vmem>>
        %dma_start3A_16 = arith.constant 0 : i32
        %dma_start3A_17 = arith.constant 0 : i32
        %dma_start3A_18 = tpu.memref_slice %arg7[%dma_start3A_16, %dma_start3A_17] : memref<10240x128xf32, #tpu.memory_space<vmem_shared>> -> memref<10240x128xf32, #tpu.memory_space<vmem_shared>>
        tpu.enqueue_indirect_dma source(%arg6 : memref<128x128xf32, #tpu.memory_space<vmem>>) target(%dma_start3A_18 : memref<10240x128xf32, #tpu.memory_space<vmem_shared>>) offsets(%dma_start3A_15 : memref<128xi32, #tpu.memory_space<vmem>>) semaphore(%run_scoped3A : memref<!tpu.dma_semaphore, #tpu.memory_space<semaphore_mem>>) {add = true}
        %dma_wait3A = arith.constant 0 : i32
        %dma_wait3A_19 = tpu.memref_slice %arg5[%scan3A_13, %dma_wait3A] : memref<40x128xi32, #tpu.memory_space<vmem>> -> memref<1x128xi32, #tpu.memory_space<vmem>>
        %dma_wait3A_20 = tpu.memref_squeeze %dma_wait3A_19 : memref<1x128xi32, #tpu.memory_space<vmem>> -> memref<128xi32, #tpu.memory_space<vmem>>
        %dma_wait3A_21 = arith.constant 0 : i32
        %dma_wait3A_22 = arith.constant 0 : i32
        %dma_wait3A_23 = tpu.memref_slice %arg7[%dma_wait3A_21, %dma_wait3A_22] : memref<10240x128xf32, #tpu.memory_space<vmem_shared>> -> memref<10240x128xf32, #tpu.memory_space<vmem_shared>>
        tpu.wait_indirect_dma semaphore(%run_scoped3A : memref<!tpu.dma_semaphore, #tpu.memory_space<semaphore_mem>>) src(%arg6 : memref<128x128xf32, #tpu.memory_space<vmem>>) dst(%dma_wait3A_23 : memref<10240x128xf32, #tpu.memory_space<vmem_shared>>)
        tpu.yield
      }) : () -> ()
    }
    %scan3A_7 = arith.constant 40 : i32
    %barrier3A_8 = arith.constant 0 : index
    tpu.barrier barrier_id(%barrier3A_8)
    %mul3A_9 = arith.constant 640 : i32
    %mul3A_10 = arith.muli %arg1, %mul3A_9 : i32
    %mul3A_11 = arith.constant 640 : i32
    %mul3A_12 = arith.muli %arg1, %mul3A_11 : i32
    "tpu.region"() ({
      %run_scoped3A = tpu.sem_alloc : memref<!tpu.dma_semaphore, #tpu.memory_space<semaphore_mem>>
      %dma_start3A = arith.constant 0 : i32
      %dma_start3A_13 = tpu.memref_slice %arg4[%arg0, %mul3A_12, %dma_start3A] : memref<2x10240x128xf32, #tpu.memory_space<hbm>> -> memref<1x640x128xf32, #tpu.memory_space<hbm>>
      %dma_start3A_14 = tpu.memref_squeeze %dma_start3A_13 : memref<1x640x128xf32, #tpu.memory_space<hbm>> -> memref<640x128xf32, #tpu.memory_space<hbm>>
      %dma_start3A_15 = arith.constant 0 : i32
      %dma_start3A_16 = tpu.memref_slice %arg7[%mul3A_10, %dma_start3A_15] : memref<10240x128xf32, #tpu.memory_space<vmem_shared>> -> memref<640x128xf32, #tpu.memory_space<vmem_shared>>
      tpu.enqueue_dma source(%dma_start3A_16 : memref<640x128xf32, #tpu.memory_space<vmem_shared>>) target(%dma_start3A_14 : memref<640x128xf32, #tpu.memory_space<hbm>>) target_semaphore(%run_scoped3A : memref<!tpu.dma_semaphore, #tpu.memory_space<semaphore_mem>>)
      %dma_wait3A = arith.constant 0 : i32
      %dma_wait3A_17 = tpu.memref_slice %arg4[%arg0, %mul3A_12, %dma_wait3A] : memref<2x10240x128xf32, #tpu.memory_space<hbm>> -> memref<1x640x128xf32, #tpu.memory_space<hbm>>
      %dma_wait3A_18 = tpu.memref_squeeze %dma_wait3A_17 : memref<1x640x128xf32, #tpu.memory_space<hbm>> -> memref<640x128xf32, #tpu.memory_space<hbm>>
      %dma_wait3A_19 = arith.constant 0 : i32
      %dma_wait3A_20 = tpu.memref_slice %arg7[%mul3A_10, %dma_wait3A_19] : memref<10240x128xf32, #tpu.memory_space<vmem_shared>> -> memref<640x128xf32, #tpu.memory_space<vmem_shared>>
      tpu.wait_dma2 semaphore(%run_scoped3A : memref<!tpu.dma_semaphore, #tpu.memory_space<semaphore_mem>>) src(%dma_wait3A_20 : memref<640x128xf32, #tpu.memory_space<vmem_shared>>) dst(%dma_wait3A_18 : memref<640x128xf32, #tpu.memory_space<hbm>>)
      tpu.yield
    }) : () -> ()
    return
  }
}

module attributes {stable_mosaic.version = 14 : i64} {
  func.func @_scale_body(%arg0: i32, %arg1: memref<1024x256xf32, #tpu.memory_space<vmem>>, %arg2: memref<2x1024x128xf32, #tpu.memory_space<vmem>>, %arg3: memref<2x1024x128xf32, #tpu.memory_space<vmem>>, %arg4: memref<1024x1xf32, #tpu.memory_space<vmem>>) attributes {dimension_semantics = [#tpu.dimension_semantics<arbitrary>], iteration_bounds = array<i64: 10>, scalar_prefetch = 0 : i64, scratch_operands = 0 : i64, tpu.core_type = #tpu.core_type<tc>, window_params = [{transform_indices = @transform_0, window_bounds = array<i64: 1024, 256>}, {transform_indices = @transform_1, window_bounds = array<i64: 2, 1024, 128>}, {transform_indices = @transform_2, window_bounds = array<i64: 2, 1024, 128>}, {transform_indices = @transform_3, window_bounds = array<i64: 1024, 1>}]} {
    %mul3A = arith.constant 1024 : i32
    %mul3A_0 = arith.muli %arg0, %mul3A : i32
    %iota3A = tpu.iota {dimensions = array<i32: 0>} : vector<1024x1xi32>
    %add3A = vector.broadcast %mul3A_0 : i32 to vector<1024x1xi32>
    %add3A_1 = arith.addi %add3A, %iota3A : vector<1024x1xi32>
    %get3A = arith.constant 0 : index
    %get3A_2 = arith.constant 0 : index
    %get3A_3 = arith.constant 0 : index
    %get3A_4 = vector.load %arg2[%get3A, %get3A_2, %get3A_3] : memref<2x1024x128xf32, #tpu.memory_space<vmem>>, vector<1x1024x128xf32>
    %get3A_5 = vector.shape_cast %get3A_4 : vector<1x1024x128xf32> to vector<1024x128xf32>
    %slice3A = vector.extract_strided_slice %get3A_5 {offsets = [0, 0], sizes = [1024, 1], strides = [1, 1]} : vector<1024x128xf32> to vector<1024x1xf32>
    %get3A_6 = arith.constant 1 : index
    %get3A_7 = arith.constant 0 : index
    %get3A_8 = arith.constant 0 : index
    %get3A_9 = vector.load %arg2[%get3A_6, %get3A_7, %get3A_8] : memref<2x1024x128xf32, #tpu.memory_space<vmem>>, vector<1x1024x128xf32>
    %get3A_10 = vector.shape_cast %get3A_9 : vector<1x1024x128xf32> to vector<1024x128xf32>
    %slice3A_11 = vector.extract_strided_slice %get3A_10 {offsets = [0, 0], sizes = [1024, 1], strides = [1, 1]} : vector<1024x128xf32> to vector<1024x1xf32>
    %add3A_12 = arith.addf %slice3A, %slice3A_11 : vector<1024x1xf32>
    %sub3A = arith.constant 1.000000e+00 : f32
    %sub3A_13 = vector.broadcast %sub3A : f32 to vector<1024x1xf32>
    %sub3A_14 = arith.subf %add3A_12, %sub3A_13 : vector<1024x1xf32>
    %lt3A = arith.constant 10000 : i32
    %lt3A_15 = vector.broadcast %lt3A : i32 to vector<1024x1xi32>
    %lt3A_16 = arith.cmpi slt, %add3A_1, %lt3A_15 : vector<1024x1xi32>
    %rsqrt3A = math.rsqrt %sub3A_14 : vector<1024x1xf32>
    %jit3A = arith.constant 0.000000e+00 : f32
    %broadcast_in_dim3A = vector.broadcast %jit3A : f32 to vector<1024x1xf32>
    %select_n3A = arith.select %lt3A_16, %rsqrt3A, %broadcast_in_dim3A : vector<1024x1xi1>, vector<1024x1xf32>
    %swap3A = arith.constant 0 : index
    %swap3A_17 = arith.constant 0 : index
    %swap3A_18 = vector.load %arg4[%swap3A, %swap3A_17] : memref<1024x1xf32, #tpu.memory_space<vmem>>, vector<1024x1xf32>
    tpu.vector_store %arg4[%swap3A, %swap3A_17], %select_n3A {strides = array<i32>} : memref<1024x1xf32, #tpu.memory_space<vmem>>, vector<1024x1xf32>,
    %get3A_19 = arith.constant 0 : index
    %get3A_20 = arith.constant 0 : index
    %get3A_21 = vector.load %arg1[%get3A_19, %get3A_20] : memref<1024x256xf32, #tpu.memory_space<vmem>>, vector<1024x256xf32>
    %mul3A_22 = vector.broadcast %select_n3A : vector<1024x1xf32> to vector<1024x256xf32>
    %mul3A_23 = arith.mulf %get3A_21, %mul3A_22 : vector<1024x256xf32>
    %slice3A_24 = vector.extract_strided_slice %mul3A_23 {offsets = [0, 0], sizes = [1024, 128], strides = [1, 1]} : vector<1024x256xf32> to vector<1024x128xf32>
    %swap3A_25 = arith.constant 0 : index
    %swap3A_26 = arith.constant 0 : index
    %swap3A_27 = arith.constant 0 : index
    %swap3A_28 = vector.load %arg3[%swap3A_25, %swap3A_26, %swap3A_27] : memref<2x1024x128xf32, #tpu.memory_space<vmem>>, vector<1x1024x128xf32>
    %swap3A_29 = vector.shape_cast %swap3A_28 : vector<1x1024x128xf32> to vector<1024x128xf32>
    %swap3A_30 = vector.shape_cast %slice3A_24 : vector<1024x128xf32> to vector<1x1024x128xf32>
    tpu.vector_store %arg3[%swap3A_25, %swap3A_26, %swap3A_27], %swap3A_30 {strides = array<i32>} : memref<2x1024x128xf32, #tpu.memory_space<vmem>>, vector<1x1024x128xf32>,
    %slice3A_31 = vector.extract_strided_slice %mul3A_23 {offsets = [0, 128], sizes = [1024, 128], strides = [1, 1]} : vector<1024x256xf32> to vector<1024x128xf32>
    %swap3A_32 = arith.constant 1 : index
    %swap3A_33 = arith.constant 0 : index
    %swap3A_34 = arith.constant 0 : index
    %swap3A_35 = vector.load %arg3[%swap3A_32, %swap3A_33, %swap3A_34] : memref<2x1024x128xf32, #tpu.memory_space<vmem>>, vector<1x1024x128xf32>
    %swap3A_36 = vector.shape_cast %swap3A_35 : vector<1x1024x128xf32> to vector<1024x128xf32>
    %swap3A_37 = vector.shape_cast %slice3A_31 : vector<1024x128xf32> to vector<1x1024x128xf32>
    tpu.vector_store %arg3[%swap3A_32, %swap3A_33, %swap3A_34], %swap3A_37 {strides = array<i32>} : memref<2x1024x128xf32, #tpu.memory_space<vmem>>, vector<1x1024x128xf32>,
    return
  }
  func.func @transform_0(%arg0: i32) -> (i32, i32) {
    %c0_i32 = arith.constant 0 : i32
    %c0_i32_0 = arith.constant 0 : i32
    return %arg0, %c0_i32 : i32, i32
  }
  func.func @transform_1(%arg0: i32) -> (i32, i32, i32) {
    %c0_i32 = arith.constant 0 : i32
    %c0_i32_0 = arith.constant 0 : i32
    %c0_i32_1 = arith.constant 0 : i32
    return %c0_i32, %arg0, %c0_i32_0 : i32, i32, i32
  }
  func.func @transform_2(%arg0: i32) -> (i32, i32, i32) {
    %c0_i32 = arith.constant 0 : i32
    %c0_i32_0 = arith.constant 0 : i32
    %c0_i32_1 = arith.constant 0 : i32
    return %c0_i32, %arg0, %c0_i32_0 : i32, i32, i32
  }
  func.func @transform_3(%arg0: i32) -> (i32, i32) {
    %c0_i32 = arith.constant 0 : i32
    %c0_i32_0 = arith.constant 0 : i32
    return %arg0, %c0_i32 : i32, i32
  }
}

module attributes {stable_mosaic.version = 14 : i64} {
  func.func @_mid_body(%arg0: i32, %arg1: memref<2x1024x128xf32, #tpu.memory_space<vmem>>, %arg2: memref<256x512xf32, #tpu.memory_space<vmem>>, %arg3: memref<512x256xf32, #tpu.memory_space<vmem>>, %arg4: memref<1x512xf32, #tpu.memory_space<vmem>>, %arg5: memref<1024x1xf32, #tpu.memory_space<vmem>>, %arg6: memref<2x1024x128xf32, #tpu.memory_space<vmem>>) attributes {dimension_semantics = [#tpu.dimension_semantics<arbitrary>], iteration_bounds = array<i64: 10>, scalar_prefetch = 0 : i64, scratch_operands = 0 : i64, tpu.core_type = #tpu.core_type<tc>, window_params = [{transform_indices = @transform_0, window_bounds = array<i64: 2, 1024, 128>}, {pipeline_mode = #tpu.pipeline_mode<synchronous>, transform_indices = @transform_1, window_bounds = array<i64: 256, 512>}, {pipeline_mode = #tpu.pipeline_mode<synchronous>, transform_indices = @transform_2, window_bounds = array<i64: 512, 256>}, {pipeline_mode = #tpu.pipeline_mode<synchronous>, transform_indices = @transform_3, window_bounds = array<i64: 1, 512>}, {transform_indices = @transform_4, window_bounds = array<i64: 1024, 1>}, {transform_indices = @transform_5, window_bounds = array<i64: 2, 1024, 128>}]} {
    %get3A = arith.constant 0 : index
    %get3A_0 = arith.constant 0 : index
    %get3A_1 = arith.constant 0 : index
    %get3A_2 = vector.load %arg1[%get3A, %get3A_0, %get3A_1] : memref<2x1024x128xf32, #tpu.memory_space<vmem>>, vector<1x1024x128xf32>
    %get3A_3 = vector.shape_cast %get3A_2 : vector<1x1024x128xf32> to vector<1024x128xf32>
    %get3A_4 = arith.constant 1 : index
    %get3A_5 = arith.constant 0 : index
    %get3A_6 = arith.constant 0 : index
    %get3A_7 = vector.load %arg1[%get3A_4, %get3A_5, %get3A_6] : memref<2x1024x128xf32, #tpu.memory_space<vmem>>, vector<1x1024x128xf32>
    %get3A_8 = vector.shape_cast %get3A_7 : vector<1x1024x128xf32> to vector<1024x128xf32>
    %concatenate3A = tpu.concatenate %get3A_3, %get3A_8 in 1 : vector<1024x128xf32>, vector<1024x128xf32> -> vector<1024x256xf32>
    %get3A_9 = arith.constant 0 : index
    %get3A_10 = arith.constant 0 : index
    %get3A_11 = vector.load %arg2[%get3A_9, %get3A_10] : memref<256x512xf32, #tpu.memory_space<vmem>>, vector<256x512xf32>
    %dot_general3A = arith.constant dense<0.000000e+00> : vector<1024x512xf32>
    %dot_general3A_12 = tpu.matmul %concatenate3A, %get3A_11, %dot_general3A {dimension_numbers = #tpu.dot_dimension_numbers<[1], [0], [0], [1], [0, 0, 1, 1], [], []>, transpose_lhs_hint = false} : vector<1024x256xf32>, vector<256x512xf32>, vector<1024x512xf32> -> vector<1024x512xf32>
    %get3A_13 = arith.constant 0 : index
    %get3A_14 = arith.constant 0 : index
    %get3A_15 = vector.load %arg5[%get3A_13, %get3A_14] : memref<1024x1xf32, #tpu.memory_space<vmem>>, vector<1024x1xf32>
    %mul3A = vector.broadcast %get3A_15 : vector<1024x1xf32> to vector<1024x512xf32>
    %mul3A_16 = arith.mulf %dot_general3A_12, %mul3A : vector<1024x512xf32>
    %get3A_17 = arith.constant 0 : index
    %get3A_18 = arith.constant 0 : index
    %get3A_19 = vector.load %arg4[%get3A_17, %get3A_18] : memref<1x512xf32, #tpu.memory_space<vmem>>, vector<1x512xf32>
    %add3A = vector.broadcast %get3A_19 : vector<1x512xf32> to vector<1024x512xf32>
    %add3A_20 = arith.addf %mul3A_16, %add3A : vector<1024x512xf32>
    %max3A = arith.constant 0.000000e+00 : f32
    %max3A_21 = vector.broadcast %max3A : f32 to vector<1024x512xf32>
    %max3A_22 = arith.maximumf %add3A_20, %max3A_21 : vector<1024x512xf32>
    %get3A_23 = arith.constant 0 : index
    %get3A_24 = arith.constant 0 : index
    %get3A_25 = vector.load %arg3[%get3A_23, %get3A_24] : memref<512x256xf32, #tpu.memory_space<vmem>>, vector<512x256xf32>
    %dot_general3A_26 = arith.constant dense<0.000000e+00> : vector<1024x256xf32>
    %dot_general3A_27 = tpu.matmul %max3A_22, %get3A_25, %dot_general3A_26 {dimension_numbers = #tpu.dot_dimension_numbers<[1], [0], [0], [1], [0, 0, 1, 1], [], []>, transpose_lhs_hint = false} : vector<1024x512xf32>, vector<512x256xf32>, vector<1024x256xf32> -> vector<1024x256xf32>
    %get3A_28 = arith.constant 0 : index
    %get3A_29 = arith.constant 0 : index
    %get3A_30 = vector.load %arg5[%get3A_28, %get3A_29] : memref<1024x1xf32, #tpu.memory_space<vmem>>, vector<1024x1xf32>
    %mul3A_31 = vector.broadcast %get3A_30 : vector<1024x1xf32> to vector<1024x256xf32>
    %mul3A_32 = arith.mulf %dot_general3A_27, %mul3A_31 : vector<1024x256xf32>
    %slice3A = vector.extract_strided_slice %mul3A_32 {offsets = [0, 0], sizes = [1024, 128], strides = [1, 1]} : vector<1024x256xf32> to vector<1024x128xf32>
    %swap3A = arith.constant 0 : index
    %swap3A_33 = arith.constant 0 : index
    %swap3A_34 = arith.constant 0 : index
    %swap3A_35 = vector.load %arg6[%swap3A, %swap3A_33, %swap3A_34] : memref<2x1024x128xf32, #tpu.memory_space<vmem>>, vector<1x1024x128xf32>
    %swap3A_36 = vector.shape_cast %swap3A_35 : vector<1x1024x128xf32> to vector<1024x128xf32>
    %swap3A_37 = vector.shape_cast %slice3A : vector<1024x128xf32> to vector<1x1024x128xf32>
    tpu.vector_store %arg6[%swap3A, %swap3A_33, %swap3A_34], %swap3A_37 {strides = array<i32>} : memref<2x1024x128xf32, #tpu.memory_space<vmem>>, vector<1x1024x128xf32>,
    %slice3A_38 = vector.extract_strided_slice %mul3A_32 {offsets = [0, 128], sizes = [1024, 128], strides = [1, 1]} : vector<1024x256xf32> to vector<1024x128xf32>
    %swap3A_39 = arith.constant 1 : index
    %swap3A_40 = arith.constant 0 : index
    %swap3A_41 = arith.constant 0 : index
    %swap3A_42 = vector.load %arg6[%swap3A_39, %swap3A_40, %swap3A_41] : memref<2x1024x128xf32, #tpu.memory_space<vmem>>, vector<1x1024x128xf32>
    %swap3A_43 = vector.shape_cast %swap3A_42 : vector<1x1024x128xf32> to vector<1024x128xf32>
    %swap3A_44 = vector.shape_cast %slice3A_38 : vector<1024x128xf32> to vector<1x1024x128xf32>
    tpu.vector_store %arg6[%swap3A_39, %swap3A_40, %swap3A_41], %swap3A_44 {strides = array<i32>} : memref<2x1024x128xf32, #tpu.memory_space<vmem>>, vector<1x1024x128xf32>,
    return
  }
  func.func @transform_0(%arg0: i32) -> (i32, i32, i32) {
    %c0_i32 = arith.constant 0 : i32
    %c0_i32_0 = arith.constant 0 : i32
    %c0_i32_1 = arith.constant 0 : i32
    return %c0_i32, %arg0, %c0_i32_0 : i32, i32, i32
  }
  func.func @transform_1(%arg0: i32) -> (i32, i32) {
    %c0_i32 = arith.constant 0 : i32
    %c0_i32_0 = arith.constant 0 : i32
    %c0_i32_1 = arith.constant 0 : i32
    return %c0_i32, %c0_i32_0 : i32, i32
  }
  func.func @transform_2(%arg0: i32) -> (i32, i32) {
    %c0_i32 = arith.constant 0 : i32
    %c0_i32_0 = arith.constant 0 : i32
    %c0_i32_1 = arith.constant 0 : i32
    return %c0_i32, %c0_i32_0 : i32, i32
  }
  func.func @transform_3(%arg0: i32) -> (i32, i32) {
    %c0_i32 = arith.constant 0 : i32
    %c0_i32_0 = arith.constant 0 : i32
    %c0_i32_1 = arith.constant 0 : i32
    return %c0_i32, %c0_i32_0 : i32, i32
  }
  func.func @transform_4(%arg0: i32) -> (i32, i32) {
    %c0_i32 = arith.constant 0 : i32
    %c0_i32_0 = arith.constant 0 : i32
    return %arg0, %c0_i32 : i32, i32
  }
  func.func @transform_5(%arg0: i32) -> (i32, i32, i32) {
    %c0_i32 = arith.constant 0 : i32
    %c0_i32_0 = arith.constant 0 : i32
    %c0_i32_1 = arith.constant 0 : i32
    return %c0_i32, %arg0, %c0_i32_0 : i32, i32, i32
  }
}

module attributes {stable_mosaic.version = 14 : i64} {
  func.func @_fin_body(%arg0: i32, %arg1: memref<2x1024x128xf32, #tpu.memory_space<vmem>>, %arg2: memref<1x256xf32, #tpu.memory_space<vmem>>, %arg3: memref<1024x1xf32, #tpu.memory_space<vmem>>, %arg4: memref<1024x256xf32, #tpu.memory_space<vmem>>) attributes {dimension_semantics = [#tpu.dimension_semantics<arbitrary>], iteration_bounds = array<i64: 10>, scalar_prefetch = 0 : i64, scratch_operands = 0 : i64, tpu.core_type = #tpu.core_type<tc>, window_params = [{transform_indices = @transform_0, window_bounds = array<i64: 2, 1024, 128>}, {pipeline_mode = #tpu.pipeline_mode<synchronous>, transform_indices = @transform_1, window_bounds = array<i64: 1, 256>}, {transform_indices = @transform_2, window_bounds = array<i64: 1024, 1>}, {transform_indices = @transform_3, window_bounds = array<i64: 1024, 256>}]} {
    %get3A = arith.constant 0 : index
    %get3A_0 = arith.constant 0 : index
    %get3A_1 = arith.constant 0 : index
    %get3A_2 = vector.load %arg1[%get3A, %get3A_0, %get3A_1] : memref<2x1024x128xf32, #tpu.memory_space<vmem>>, vector<1x1024x128xf32>
    %get3A_3 = vector.shape_cast %get3A_2 : vector<1x1024x128xf32> to vector<1024x128xf32>
    %get3A_4 = arith.constant 1 : index
    %get3A_5 = arith.constant 0 : index
    %get3A_6 = arith.constant 0 : index
    %get3A_7 = vector.load %arg1[%get3A_4, %get3A_5, %get3A_6] : memref<2x1024x128xf32, #tpu.memory_space<vmem>>, vector<1x1024x128xf32>
    %get3A_8 = vector.shape_cast %get3A_7 : vector<1x1024x128xf32> to vector<1024x128xf32>
    %concatenate3A = tpu.concatenate %get3A_3, %get3A_8 in 1 : vector<1024x128xf32>, vector<1024x128xf32> -> vector<1024x256xf32>
    %get3A_9 = arith.constant 0 : index
    %get3A_10 = arith.constant 0 : index
    %get3A_11 = vector.load %arg3[%get3A_9, %get3A_10] : memref<1024x1xf32, #tpu.memory_space<vmem>>, vector<1024x1xf32>
    %mul3A = vector.broadcast %get3A_11 : vector<1024x1xf32> to vector<1024x256xf32>
    %mul3A_12 = arith.mulf %concatenate3A, %mul3A : vector<1024x256xf32>
    %get3A_13 = arith.constant 0 : index
    %get3A_14 = arith.constant 0 : index
    %get3A_15 = vector.load %arg2[%get3A_13, %get3A_14] : memref<1x256xf32, #tpu.memory_space<vmem>>, vector<1x256xf32>
    %add3A = vector.broadcast %get3A_15 : vector<1x256xf32> to vector<1024x256xf32>
    %add3A_16 = arith.addf %mul3A_12, %add3A : vector<1024x256xf32>
    %swap3A = arith.constant 0 : index
    %swap3A_17 = arith.constant 0 : index
    %swap3A_18 = vector.load %arg4[%swap3A, %swap3A_17] : memref<1024x256xf32, #tpu.memory_space<vmem>>, vector<1024x256xf32>
    tpu.vector_store %arg4[%swap3A, %swap3A_17], %add3A_16 {strides = array<i32>} : memref<1024x256xf32, #tpu.memory_space<vmem>>, vector<1024x256xf32>,
    return
  }
  func.func @transform_0(%arg0: i32) -> (i32, i32, i32) {
    %c0_i32 = arith.constant 0 : i32
    %c0_i32_0 = arith.constant 0 : i32
    %c0_i32_1 = arith.constant 0 : i32
    return %c0_i32, %arg0, %c0_i32_0 : i32, i32, i32
  }
  func.func @transform_1(%arg0: i32) -> (i32, i32) {
    %c0_i32 = arith.constant 0 : i32
    %c0_i32_0 = arith.constant 0 : i32
    %c0_i32_1 = arith.constant 0 : i32
    return %c0_i32, %c0_i32_0 : i32, i32
  }
  func.func @transform_2(%arg0: i32) -> (i32, i32) {
    %c0_i32 = arith.constant 0 : i32
    %c0_i32_0 = arith.constant 0 : i32
    return %arg0, %c0_i32 : i32, i32
  }
  func.func @transform_3(%arg0: i32) -> (i32, i32) {
    %c0_i32 = arith.constant 0 : i32
    %c0_i32_0 = arith.constant 0 : i32
    return %arg0, %c0_i32 : i32, i32
  }
}

</mosaic_0001>

<sc_bundles>
// kernel: kernel.11.cloned.1.call-start
scs
__scs_entry_jumppad:
0x0: {  	(pc) =	sbr.rel $0x88, $3  }
0x1: {  	(tag) =	ssettag $0x0;
	lr =	simm.s32 $0x1  }
0x2: {  	[smem:$0x3F9B] =	sst lr;
	_ =	strace $0xD0000000  }
0x3: {  	_ = 	snop  }
0x4: {  	_ = 	snop  }
0x5: {  	_ = 	snop  }
0x6: {  	_ = 	snop  }
0x7: {  	_ = 	snop  }
__scs_overlays_trampoline_lowered:
0x8: {  	[smem:$0x3FAA] =	sst s0  }
0x9: {  	[smem:$0x3FAB] =	sst s1  }
0xa: {  	[smem:$0x3FAC] =	sst s2  }
0xb: {  	[smem:$0x3FAD] =	sst s3  }
0xc: {  	[smem:$0x3FAE] =	sst s4  }
0xd: {  	[smem:$0x3FAF] =	sst s5  }
0xe: {  	[smem:$0x3FB0] =	sst s6  }
0xf: {  	[smem:$0x3FB1] =	sst s7  }
0x10: {  	[smem:$0x3FB2] =	sst s8  }
0x11: {  	[smem:$0x3FB3] =	sst s9;
	s0 =	simm.s32 @!p0 $0x0  }
0x12: {  	s1 =	sld [smem:$0x3F99];
	s0 =	simm.s32 @p0 $0x1  }
0x13: {  	[smem:$0x3FB4] =	sst s0;
	s0 =	simm.s32 @!p1 $0x0  }
0x14: {  	s2 =	sld [smem:$0x3F98];
	s0 =	simm.s32 @p1 $0x1  }
0x15: {  	[smem:$0x3FB5] =	sst s0;
	s0 =	simm.s32 @!p2 $0x0  }
0x16: {  	s3 =	sld [smem:$0x3FDB];
	s0 =	simm.s32 @p2 $0x1  }
0x17: {  	s4 =	simm.s32 $0x1BF5;
	[smem:$0x3FB7] =	sst s0  }
0x18: {  	s0 =	sld [smem:$0x3F9A];
	_ =	swait.ge [sflag:s4], $0x0  }
0x19: {  	s7 =	sld [smem:$0x3F9B]  }
0x1a: {  	s8 =	sadd.s32 $0xFFFFE003, lr  }
0x1b: {  	s9 =	sadd.s32 $0xFFFFFEF7, lr;
	s5 =	simm.s32 $0xFFFFFFFF;
	p2 =	slt.u32 s8, $0xFFFFF086  }
0x1c: {  	p1 =	slt.u32 s9, $0xF7A;
	s5 =	simm.s32 @!p2 $0x0  }
0x1d: {  	s5 =	simm.s32 @p1 $0x1;
	p0 =	seq.s32 s7, s2  }
0x1e: {  	s7 =	smul.u32 @!p0 $0xF7A, s2;
	p2 =	seq.s32 @!p0 s5, $0x0  }
0x1f: {  	s9 =	smul.u32 $0xF7A, s1;
	s8 =	simm.s32 @!p0 $0x1BF5;
	p2 =	por !p2, p0  }
0x20: {  	[sflag:s8] =	ssyncset.s32 @!p0 $0xFFFFF086;
	s6 =	sadd.s32 @!p0 s3, s7;
	s7 =	simm.s32 @!p0 $0x108  }
0x21: {  	s3 =	sadd.s32 s3, s9;
	s6 =	sadd.s32 @!p0 $0x88, s6;
	s7 =	simm.s32 @p2 $0x1082  }
0x22: {  	[simem:s7], [sflag:s8] =	dma.local @!p0 [hbm:s6], $0xF7A  }
0x23: {  	s9 =	sor.u32 $0xD0000000, s2;
	s6 =	simm.s32 $0x108;
	_ =	swait.ge @!p0 [sflag:s8], $0x0  }
0x24: {  	s3 =	sadd.s32 $0x88, s3;
	s6 =	simm.s32 @!p1 $0x1082;
	[sflag:s4] =	ssyncset.s32 $0xFFFFF086  }
0x25: {  	[simem:s6], [sflag:s4] =	dma.local [hbm:s3], $0xF7A  }
0x26: {  	[smem:$0x3F9B] =	sst s1;
	(tag) =	ssettag s2;
	_ =	strace s9  }
0x27: {  	s1 =	sld [smem:$0x3FAB]  }
0x28: {  	s2 =	sld [smem:$0x3FAC]  }
0x29: {  	s4 =	sld [smem:$0x3FAE]  }
0x2a: {  	p0 =	seq.s32 s5, $0x0;
	s5 =	sld [smem:$0x3FAF]  }
0x2b: {  	s6 =	sld [smem:$0x3FB0]  }
0x2c: {  	s7 =	sld [smem:$0x3FB1]  }
0x2d: {  	s3 =	simm.s32 $0x108;
	s8 =	sld [smem:$0x3FB2]  }
0x2e: {  	s3 =	simm.s32 @!p0 $0x1082;
	s9 =	sld [smem:$0x3FB3]  }
0x2f: {  	lr =	sadd.s32 s0, s3;
	s0 =	sld [smem:$0x3FAA]  }
0x30: {  	s3 =	sld [smem:$0x3FAD]  }
0x31: {  	[smem:$0x3FB6] =	sst s10  }
0x32: {  	s10 =	sld [smem:$0x3FB4];
	_ =	sdelay $0x3  }
0x33: {  	p0 =	seq.s32 s10, $0x1;
	s10 =	sld [smem:$0x3FB6];
	_ =	sdelay $0x3  }
0x34: {  	[smem:$0x3FB6] =	sst s10  }
0x35: {  	s10 =	sld [smem:$0x3FB5];
	_ =	sdelay $0x3  }
0x36: {  	p1 =	seq.s32 s10, $0x1;
	s10 =	sld [smem:$0x3FB6];
	_ =	sdelay $0x3  }
0x37: {  	[smem:$0x3FB6] =	sst s10  }
0x38: {  	s10 =	sld [smem:$0x3FB7]  }
0x39: {  	_ = 	snop;
	(pc) =	sbr.ind lr, $3  }
0x3a: {  	_ = 	snop  }
0x3b: {  	_ = 	snop  }
0x3c: {  	p2 =	seq.s32 s10, $0x1;
	s10 =	sld [smem:$0x3FB6]  }
0x3d: {  	_ =	shalt  }
0x3e: {  	_ =	shalt  }
0x3f: {  	_ =	shalt  }
0x40: {  	_ =	shalt  }
0x41: {  	_ =	shalt  }
0x42: {  	_ =	shalt  }
0x43: {  	_ =	shalt  }
0x44: {  	_ =	shalt  }
0x45: {  	_ =	shalt  }
0x46: {  	_ =	shalt  }
0x47: {  	_ =	shalt  }
0x48: {  	_ =	shalt  }
0x49: {  	_ =	shalt  }
0x4a: {  	_ =	shalt  }
0x4b: {  	_ =	shalt  }
0x4c: {  	_ =	shalt  }
0x4d: {  	_ =	shalt  }
0x4e: {  	_ =	shalt  }
0x4f: {  	_ =	shalt  }
0x50: {  	_ =	shalt  }
0x51: {  	_ =	shalt  }
0x52: {  	_ =	shalt  }
0x53: {  	_ =	shalt  }
0x54: {  	_ =	shalt  }
0x55: {  	_ =	shalt  }
0x56: {  	_ =	shalt  }
0x57: {  	_ =	shalt  }
0x58: {  	_ =	shalt  }
0x59: {  	_ =	shalt  }
0x5a: {  	_ =	shalt  }
0x5b: {  	_ =	shalt  }
0x5c: {  	_ =	shalt  }
0x5d: {  	_ =	shalt  }
0x5e: {  	_ =	shalt  }
0x5f: {  	_ =	shalt  }
0x60: {  	_ =	shalt  }
0x61: {  	_ =	shalt  }
0x62: {  	_ =	shalt  }
0x63: {  	_ =	shalt  }
0x64: {  	_ =	shalt  }
0x65: {  	_ =	shalt  }
0x66: {  	_ =	shalt  }
0x67: {  	_ =	shalt  }
0x68: {  	_ =	shalt  }
0x69: {  	_ =	shalt  }
0x6a: {  	_ =	shalt  }
0x6b: {  	_ =	shalt  }
0x6c: {  	_ =	shalt  }
0x6d: {  	_ =	shalt  }
0x6e: {  	_ =	shalt  }
0x6f: {  	_ =	shalt  }
0x70: {  	_ =	shalt  }
0x71: {  	_ =	shalt  }
0x72: {  	_ =	shalt  }
0x73: {  	_ =	shalt  }
0x74: {  	_ =	shalt  }
0x75: {  	_ =	shalt  }
0x76: {  	_ =	shalt  }
0x77: {  	_ =	shalt  }
0x78: {  	_ =	shalt  }
0x79: {  	_ =	shalt  }
0x7a: {  	_ =	shalt  }
0x7b: {  	_ =	shalt  }
0x7c: {  	_ =	shalt  }
0x7d: {  	_ =	shalt  }
0x7e: {  	_ =	shalt  }
0x7f: {  	_ =	shalt  }
0x80: {  	_ =	shalt  }
0x81: {  	_ =	shalt  }
0x82: {  	_ =	shalt  }
0x83: {  	_ =	shalt  }
0x84: {  	_ =	shalt  }
0x85: {  	_ =	shalt  }
0x86: {  	_ =	shalt  }
0x87: {  	_ =	shalt  }
.Lfunc_end0:
.L_simem_size_0:
called_computation.1_lowered:
.L_overlay_start_0:
0x88: {  	s2 =	sld [smem:$0x3FD9]  }
0x89: {  	s3 =	sld [smem:$0x3FFE];
	_ =	sdelay $0x1  }
0x8a: {  	s1 =	srdreg.scid  }
0x8b: {  	s0 =	sand.u32 $0x1, s1  }
0x8c: {  	s16 =	sshll.u32 s0, $0xA;
	s2 =	sadd.s32 s3, s2  }
0x8d: {  	s2 =	sadd.s32 s2, s16  }
0x8e: {  	[smem:$0x3FC2] =	sst s2  }
0x8f: {  	_ = 	snop  }
0x90: {  	(tm) =	ssettm $0x1  }
0x91: {  	s17 =	sld [smem:$0x3FFB];
	_ =	sdelay $0x3  }
0x92: {  	_ =	strace s17  }
0x93: {  	s2 =	sld [smem:$0x3FFC];
	_ =	sdelay $0x3  }
0x94: {  	_ =	strace s2  }
0x95: {  	s2 =	sld [smem:$0x3FFD];
	_ =	sdelay $0x3  }
0x96: {  	_ =	strace s2  }
0x97: {  	_ =	strace $0x8FFFFFFF  }
0x98: {  	s18 =	sld [smem:$0x3FDB];
	_ =	sdelay $0x1  }
0x99: {  	s19 =	simm.s32 $_scs_section_size  }
0x9a: {  	s4 =	simm.s32 $_size__tile_overlayer_lowered;
	s5 =	simm.s32 $_tile_overlayer_lowered  }
0x9b: {  	s22 =	simm.s32 $0x1BFF;
	s21 =	sshll.u32 s5, $0x1;
	s2 =	sadd.s32 s19, s18  }
0x9c: {  	s6 =	simm.s32 $0x0;
	s20 =	sshll.u32 s4, $0x1;
	s4 =	sadd.s32 s21, s2  }
0x9d: {  	[timem:s6], [sflag:s22] =	dma.local [hbm:s4], s20  }
0x9e: {  	_ =	swait.ge [sflag:s22], s20  }
0x9f: {  	s3 =	ssub.s32 $0x0, s20;
	[sflag:s22] =	ssyncset.done $0x0  }
0xa0: {  	[sflag:s22] =	ssyncadd.s32 s3;
	_ =	sdelay $0x1  }
0xa1: {  	s23 =	simm.s32 $0x1B8B  }
0xa2: {  	_ =	swait.ge [sflag:s23], $0x1  }
0xa3: {  	[sflag:s23] =	ssyncset.done $0x0  }
0xa4: {  	s25 =	simm.s32 $0x1B8E;
	s24 =	sld [smem:$0x3FFE];
	[sflag:s23] =	ssyncadd.s32 $0xFFFFFFFF  }
0xa5: {  	s26 =	simm.s32 $execute0_lowered;
	[smem:$0x3FD2] =	sst s25  }
0xa6: {  	s4 =	sshll.u32 s26, $0x1;
	_ =	strace $0x80000049;
	[dreg:$0x1] =	wrdreg $0xFFFFFFFF  }
0xa7: {  	s28 =	simm.s32 $_size_execute0_lowered;
	s2 =	sadd.s32 s2, s4;
	[dreg:$0x0] =	wrdreg $0x0  }
0xa8: {  	s4 =	sshll.u32 s28, $0x1;
	[dreg:$0x2] =	wrdreg s2  }
0xa9: {  	[dreg:$0x3] =	wrdreg s4  }
0xaa: {  	[dreg:$0x4] =	wrdreg $0xC0  }
0xab: {  	_ =	task [dreg:s6], $0x5FFFF  }
0xac: {  	[dreg:$0x1] =	wrdreg $0xFFFFFFFF  }
0xad: {  	[dreg:$0x0] =	wrdreg $0x60  }
0xae: {  	[dreg:$0x2] =	wrdreg s24  }
0xaf: {  	[dreg:$0x3] =	wrdreg $0xA8000  }
0xb0: {  	[dreg:$0x4] =	wrdreg $0x9  }
0xb1: {  	_ =	task.clear_ibuf [dreg:s6], $0x5FFFF;
	_ =	strace $0x90000049  }
0xb2: {  	s29 =	simm.s32 $0x9;
	_ =	strace $0x8000004B  }
0xb3: {  	_ =	swait.ge [sflag:s29], $0x1  }
0xb4: {  	[sflag:s29] =	ssyncadd.s32 $0xFFFFFFFF  }
0xb5: {  	_ =	strace $0x9000004B  }
0xb6: {  	_ =	sfence  }
0xb7: {  	s30 =	sld [smem:$0x0];
	_ =	sdelay $0x2  }
0xb8: {  	s31 =	sshll.u32 s1, $0xD;
	s1 =	sshrl.u32 s1, $0x2  }
0xb9: {  	s3 =	sand.u32 $0x4000, s31;
	s1 =	sadd.s32 s1, s30  }
0xba: {  	s0 =	sor.u32 s3, s0;
	s1 =	sshll.u32 s1, $0x11  }
0xbb: {  	s0 =	sor.u32 s1, s0  }
0xbc: {  	s0 =	sadd.s32 $0x8F2B, s0  }
0xbd: {  	[sflag:s0] =	ssyncadd.remote.s32 $0x1  }
0xbe: {  	_ =	sfence.sel $0xFFFF  }
0xbf: {  	[dreg:$0x0] =	wrdreg $0xFFFFFFFF;
	(pc) =	sbr.abs _section_cstart, $3  }
0xc0: {  	[dreg:$0x1] =	wrdreg $0xFFFFFFFF  }
0xc1: {  	_ =	task.clear_ibuf [dreg:s6], $0x2FFFF;
	_ =	strace $0x9FFFFFFF  }
0xc2: {  	(tm) =	ssettm $0x7FFFFFFF  }
0xc3: {  	_ =	shalt  }
tec
execute0_lowered:
.L_overlay_start_1:
0x0: {  	(tag) =	ssettag $0x1  }
0x1: {  	s5 =	rddreg [dreg:$0x0]  }
0x2: {  	s2 =	rddreg [dreg:$0x1]  }
0x3: {  	s0 =	srdreg.scid;
	s1 =	rddreg [dreg:$0x2]  }
0x4: {  	s3 =	simm.s32 $0x0;
	s16 =	simm.s32 $0x80;
	s17 =	simm.s32 $0x2800  }
0x5: {  	s18 =	simm.s32 $0x1;
	s19 =	simm.s32 $0x6800;
	s6 =	sand.u32 $0x1, s0  }
0x6: {  	s20 =	simm.s32 $0x2;
	s0 =	stileid.u32;
	s4 =	smul.u32 $0x28000, s6  }
0x7: {  	s21 =	simm.s32 $0x1380;
	s22 =	simm.s32 $0x2700;
	s7 =	smul.u32 $0x2800, s0  }
0x8: {  	s23 =	simm.s32 $0x2780;
	[smem:$0x7FF] =	sst s3;
	s8 =	smul.u32 $0x140000, s6  }
0x9: {  	s24 =	simm.s32 $0x0;
	s10 =	smul.u32 $0x14000, s0;
	_ =	strace $0x8000004A  }
0xa: {  	s6 =	ssub.s32 $0x2, s6;
	s28 =	smul.u32 $0x50000, s0;
	s31 =	sshll.u32 s0, $0x6  }
0xb: {  	s29 =	sshrl.u32 s6, $0x1;
	s9 =	sadd.s32 s7, s4;
	s4 =	sadd.s32 $0x7200, s5  }
0xc: {  	s7 =	sshrl.u32 s7, $0x3;
	s8 =	sadd.s32 s10, s8;
	s14 =	ssub.s32 s6, s29  }
0xd: {  	s30 =	sshrl.u32 s28, $0x2;
	s6 =	sor.u32 $0x1C03, s31;
	s11 =	sshrl.u32 s9, $0x3  }
0xe: {  	s8 =	sshrl.u32 s8, $0x3;
	s12 =	sadd.s32 s7, s5;
	s15 =	sadd.s32 s30, s2  }
0xf: {  	s11 =	sadd.s32 s11, s5;
	s13 =	sadd.s32 s8, s5;
	s5 =	sadd.s32 s4, s9  }
0x10: {  	s8 =	sadd.s32 $0x2200, s12;
	s10 =	sadd.s32 $0x2480, s12;
	s12 =	smax.u32 s14, $0x1  }
0x11: {  	s14 =	simm.s32 $0x3;
	s7 =	sadd.s32 $0xA7200, s11;
	s9 =	sadd.s32 $0xA7480, s11  }
0x12: {  	s11 =	sadd.s32 $0x57200, s13;
	s13 =	sshrl.u32 s15, $0x3;
	s15 =	simm.s32 $0x1400  }
.LBB2_1:
0x13: {  	[spmem:s13], [sflag:s6] =	dma.local [hbm:s5], $0x2800  }
0x14: {  	_ =	swait.ge [sflag:s14], $0x2800  }
0x15: {  	[sflag:s14] =	ssyncset.done $0x0  }
0x16: {  	[sflag:s14] =	ssyncadd.s32 $0xFFFFD800  }
0x17: {  	[bflag:$0x0] =	sbarrier.arrive $0xFFFF  }
0x18: {  	[tilespmem:s3], [sflag:$0x3] =	stream.linear.gather [hbm4b:s7+s3], $0x1400, $0x38;
	[tilespmem:$0x1E800] =	vst v63  }
0x19: {  	_ =	swait.ge [sflag:s14], $0x1400  }
0x1a: {  	[sflag:s14] =	ssyncset.done $0x0  }
0x1b: {  	[sflag:s14] =	ssyncadd.s32 $0xFFFFEC00  }
0x1c: {  	[tilespmem:s15], [sflag:$0x3] =	stream.linear.gather [hbm4b:s8+s3], $0x1400, $0x38;
	[tilespmem:$0x1E800] =	vst v63  }
0x1d: {  	_ =	swait.ge [sflag:s14], $0x1400  }
0x1e: {  	[sflag:s14] =	ssyncset.done $0x0  }
0x1f: {  	[sflag:s14] =	ssyncadd.s32 $0xFFFFEC00  }
0x20: {  	[tilespmem:s17], [sflag:$0x1] =	stream.indirect.gather [hbm4b:s4+s16], $0x80, s3, s16, $0xb8;
	[tilespmem:$0x1E800] =	vst v63  }
0x21: {  	_ =	swait.ge [sflag:s18], $0x4000  }
0x22: {  	[sflag:s18] =	ssyncset.done $0x0  }
0x23: {  	s25 =	simm.s32 $0x80;
	[sflag:s18] =	ssyncadd.s32 $0xFFFFC000  }
0x24: {  	[tilespmem:s19], [sflag:$0x2] =	stream.indirect.gather [hbm4b:s4+s16], $0x80, s25, s16, $0xb8;
	[tilespmem:$0x1E800] =	vst v63  }
0x25: {  	s29 =	simm.s32 $0x1400  }
0x26: {  	[spmem:s2] =	stream.indirect.scatter.add.f32 [tilespmem:s17], [sflag:$0x3], $0x80, s29, s16, $0xb8;
	[tilespmem:$0x1E800] =	vst v63  }
0x27: {  	_ =	swait.ge [sflag:s14], $0x4000  }
0x28: {  	[sflag:s14] =	ssyncset.done $0x0  }
0x29: {  	[sflag:s14] =	ssyncadd.s32 $0xFFFFC000  }
0x2a: {  	_ =	swait.ge [sflag:s20], $0x4000  }
0x2b: {  	[sflag:s20] =	ssyncset.done $0x0  }
0x2c: {  	s30 =	simm.s32 $0x100;
	[sflag:s20] =	ssyncadd.s32 $0xFFFFC000  }
0x2d: {  	[tilespmem:s17], [sflag:$0x1] =	stream.indirect.gather [hbm4b:s4+s16], $0x80, s30, s16, $0xb8;
	[tilespmem:$0x1E800] =	vst v63  }
0x2e: {  	s31 =	simm.s32 $0x1480  }
0x2f: {  	[spmem:s2] =	stream.indirect.scatter.add.f32 [tilespmem:s19], [sflag:$0x3], $0x80, s31, s16, $0xb8;
	[tilespmem:$0x1E800] =	vst v63  }
0x30: {  	_ =	swait.ge [sflag:s14], $0x4000  }
0x31: {  	s25 =	simm.s32 $0x400;
	[sflag:s14] =	ssyncset.done $0x0  }
.LBB2_2:
0x32: {  	p0 =	sne.s32 s25, $0x4800  }
0x33: {  	[sflag:s14] =	ssyncadd.s32 $0xFFFFC000;
	s26 =	smov.u32 s25;
	s25 =	sadd.s32 $0x400, s25  }
0x34: {  	_ = 	snop  }
0x35: {  	_ =	swait.ge [sflag:s18], $0x4000  }
0x36: {  	s26 =	sshra.s32 s26, $0x2;
	[sflag:s18] =	ssyncset.done $0x0  }
0x37: {  	s28 =	sadd.s32 $0x80, s26;
	[sflag:s18] =	ssyncadd.s32 $0xFFFFC000  }
0x38: {  	[tilespmem:s19], [sflag:$0x2] =	stream.indirect.gather [hbm4b:s4+s16], $0x80, s28, s16, $0xb8;
	[tilespmem:$0x1E800] =	vst v63  }
0x39: {  	s28 =	sadd.s32 $0x1400, s26  }
0x3a: {  	[spmem:s2] =	stream.indirect.scatter.add.f32 [tilespmem:s17], [sflag:$0x3], $0x80, s28, s16, $0xb8;
	[tilespmem:$0x1E800] =	vst v63  }
0x3b: {  	_ =	swait.ge [sflag:s14], $0x4000  }
0x3c: {  	[sflag:s14] =	ssyncset.done $0x0  }
0x3d: {  	[sflag:s14] =	ssyncadd.s32 $0xFFFFC000  }
0x3e: {  	_ =	swait.ge [sflag:s20], $0x4000  }
0x3f: {  	[sflag:s20] =	ssyncset.done $0x0  }
0x40: {  	s28 =	sadd.s32 $0x100, s26;
	[sflag:s20] =	ssyncadd.s32 $0xFFFFC000  }
0x41: {  	[tilespmem:s17], [sflag:$0x1] =	stream.indirect.gather [hbm4b:s4+s16], $0x80, s28, s16, $0xb8;
	[tilespmem:$0x1E800] =	vst v63  }
.Ltmp0:
0x42: {  	_ = 	snop;
	(pc) =	sbr.rel @p0 .LBB2_2-.Ltmp0, $4  }
0x43: {  	s26 =	sadd.s32 $0x1480, s26  }
0x44: {  	[spmem:s2] =	stream.indirect.scatter.add.f32 [tilespmem:s19], [sflag:$0x3], $0x80, s26, s16, $0xb8;
	[tilespmem:$0x1E800] =	vst v63  }
0x45: {  	_ =	swait.ge [sflag:s14], $0x4000  }
0x46: {  	[sflag:s14] =	ssyncset.done $0x0  }
0x47: {  	[sflag:s14] =	ssyncadd.s32 $0xFFFFC000  }
0x48: {  	_ =	swait.ge [sflag:s18], $0x4000  }
0x49: {  	[sflag:s18] =	ssyncset.done $0x0  }
0x4a: {  	[sflag:s18] =	ssyncadd.s32 $0xFFFFC000  }
0x4b: {  	[tilespmem:s19], [sflag:$0x2] =	stream.indirect.gather [hbm4b:s4+s16], $0x80, s21, s16, $0xb8;
	[tilespmem:$0x1E800] =	vst v63  }
0x4c: {  	_ = 	snop  }
0x4d: {  	[spmem:s2] =	stream.indirect.scatter.add.f32 [tilespmem:s17], [sflag:$0x3], $0x80, s22, s16, $0xb8;
	[tilespmem:$0x1E800] =	vst v63  }
0x4e: {  	_ =	swait.ge [sflag:s14], $0x4000  }
0x4f: {  	[sflag:s14] =	ssyncset.done $0x0  }
0x50: {  	[sflag:s14] =	ssyncadd.s32 $0xFFFFC000  }
0x51: {  	_ =	swait.ge [sflag:s20], $0x4000  }
0x52: {  	[sflag:s20] =	ssyncset.done $0x0  }
0x53: {  	s25 =	simm.s32 $0x0;
	[sflag:s20] =	ssyncadd.s32 $0xFFFFC000  }
0x54: {  	[tilespmem:s17], [sflag:$0x1] =	stream.indirect.gather [hbm4b:s4+s16], $0x80, s25, s16, $0xb8;
	[tilespmem:$0x1E800] =	vst v63  }
0x55: {  	_ = 	snop  }
0x56: {  	[spmem:s2] =	stream.indirect.scatter.add.f32 [tilespmem:s19], [sflag:$0x3], $0x80, s23, s16, $0xb8;
	[tilespmem:$0x1E800] =	vst v63  }
0x57: {  	_ =	swait.ge [sflag:s14], $0x4000  }
0x58: {  	[sflag:s14] =	ssyncset.done $0x0  }
0x59: {  	[sflag:s14] =	ssyncadd.s32 $0xFFFFC000  }
0x5a: {  	_ =	swait.ge [sflag:s18], $0x4000  }
0x5b: {  	[sflag:s18] =	ssyncset.done $0x0  }
0x5c: {  	[sflag:s18] =	ssyncadd.s32 $0xFFFFC000  }
0x5d: {  	[tilespmem:s25], [sflag:$0x3] =	stream.linear.gather [hbm4b:s9+s25], $0x1400, $0x38;
	[tilespmem:$0x1E800] =	vst v63  }
0x5e: {  	_ =	swait.ge [sflag:s14], $0x1400  }
0x5f: {  	[sflag:s14] =	ssyncset.done $0x0  }
0x60: {  	[sflag:s14] =	ssyncadd.s32 $0xFFFFEC00  }
0x61: {  	[tilespmem:s15], [sflag:$0x3] =	stream.linear.gather [hbm4b:s10+s25], $0x1400, $0x38;
	[tilespmem:$0x1E800] =	vst v63  }
0x62: {  	_ =	swait.ge [sflag:s14], $0x1400  }
0x63: {  	[sflag:s14] =	ssyncset.done $0x0  }
0x64: {  	[sflag:s14] =	ssyncadd.s32 $0xFFFFEC00  }
0x65: {  	[tilespmem:s17], [sflag:$0x1] =	stream.indirect.gather [hbm4b:s4+s16], $0x80, s25, s16, $0xb8;
	[tilespmem:$0x1E800] =	vst v63  }
0x66: {  	_ =	swait.ge [sflag:s18], $0x4000  }
0x67: {  	[sflag:s18] =	ssyncset.done $0x0  }
0x68: {  	s28 =	simm.s32 $0x80;
	[sflag:s18] =	ssyncadd.s32 $0xFFFFC000  }
0x69: {  	[tilespmem:s19], [sflag:$0x2] =	stream.indirect.gather [hbm4b:s4+s16], $0x80, s28, s16, $0xb8;
	[tilespmem:$0x1E800] =	vst v63  }
0x6a: {  	s29 =	simm.s32 $0x1400  }
0x6b: {  	[spmem:s2] =	stream.indirect.scatter.add.f32 [tilespmem:s17], [sflag:$0x3], $0x80, s29, s16, $0xb8;
	[tilespmem:$0x1E800] =	vst v63  }
0x6c: {  	_ =	swait.ge [sflag:s14], $0x4000  }
0x6d: {  	[sflag:s14] =	ssyncset.done $0x0  }
0x6e: {  	[sflag:s14] =	ssyncadd.s32 $0xFFFFC000  }
0x6f: {  	_ =	swait.ge [sflag:s20], $0x4000  }
0x70: {  	[sflag:s20] =	ssyncset.done $0x0  }
0x71: {  	s30 =	simm.s32 $0x100;
	[sflag:s20] =	ssyncadd.s32 $0xFFFFC000  }
0x72: {  	[tilespmem:s17], [sflag:$0x1] =	stream.indirect.gather [hbm4b:s4+s16], $0x80, s30, s16, $0xb8;
	[tilespmem:$0x1E800] =	vst v63  }
0x73: {  	s31 =	simm.s32 $0x1480  }
0x74: {  	[spmem:s2] =	stream.indirect.scatter.add.f32 [tilespmem:s19], [sflag:$0x3], $0x80, s31, s16, $0xb8;
	[tilespmem:$0x1E800] =	vst v63  }
0x75: {  	_ =	swait.ge [sflag:s14], $0x4000  }
0x76: {  	s25 =	simm.s32 $0x400;
	[sflag:s14] =	ssyncset.done $0x0  }
.LBB2_4:
0x77: {  	p0 =	sne.s32 s25, $0x4800  }
0x78: {  	[sflag:s14] =	ssyncadd.s32 $0xFFFFC000;
	s26 =	smov.u32 s25;
	s25 =	sadd.s32 $0x400, s25  }
0x79: {  	_ = 	snop  }
0x7a: {  	_ =	swait.ge [sflag:s18], $0x4000  }
0x7b: {  	s26 =	sshra.s32 s26, $0x2;
	[sflag:s18] =	ssyncset.done $0x0  }
0x7c: {  	s28 =	sadd.s32 $0x80, s26;
	[sflag:s18] =	ssyncadd.s32 $0xFFFFC000  }
0x7d: {  	[tilespmem:s19], [sflag:$0x2] =	stream.indirect.gather [hbm4b:s4+s16], $0x80, s28, s16, $0xb8;
	[tilespmem:$0x1E800] =	vst v63  }
0x7e: {  	s28 =	sadd.s32 $0x1400, s26  }
0x7f: {  	[spmem:s2] =	stream.indirect.scatter.add.f32 [tilespmem:s17], [sflag:$0x3], $0x80, s28, s16, $0xb8;
	[tilespmem:$0x1E800] =	vst v63  }
0x80: {  	_ =	swait.ge [sflag:s14], $0x4000  }
0x81: {  	[sflag:s14] =	ssyncset.done $0x0  }
0x82: {  	[sflag:s14] =	ssyncadd.s32 $0xFFFFC000  }
0x83: {  	_ =	swait.ge [sflag:s20], $0x4000  }
0x84: {  	[sflag:s20] =	ssyncset.done $0x0  }
0x85: {  	s28 =	sadd.s32 $0x100, s26;
	[sflag:s20] =	ssyncadd.s32 $0xFFFFC000  }
0x86: {  	[tilespmem:s17], [sflag:$0x1] =	stream.indirect.gather [hbm4b:s4+s16], $0x80, s28, s16, $0xb8;
	[tilespmem:$0x1E800] =	vst v63  }
.Ltmp1:
0x87: {  	_ = 	snop;
	(pc) =	sbr.rel @p0 .LBB2_4-.Ltmp1, $4  }
0x88: {  	s26 =	sadd.s32 $0x1480, s26  }
0x89: {  	[spmem:s2] =	stream.indirect.scatter.add.f32 [tilespmem:s19], [sflag:$0x3], $0x80, s26, s16, $0xb8;
	[tilespmem:$0x1E800] =	vst v63  }
0x8a: {  	_ =	swait.ge [sflag:s14], $0x4000  }
0x8b: {  	[sflag:s14] =	ssyncset.done $0x0  }
0x8c: {  	[sflag:s14] =	ssyncadd.s32 $0xFFFFC000  }
0x8d: {  	_ =	swait.ge [sflag:s18], $0x4000  }
0x8e: {  	[sflag:s18] =	ssyncset.done $0x0  }
0x8f: {  	[sflag:s18] =	ssyncadd.s32 $0xFFFFC000  }
0x90: {  	[tilespmem:s19], [sflag:$0x2] =	stream.indirect.gather [hbm4b:s4+s16], $0x80, s21, s16, $0xb8;
	[tilespmem:$0x1E800] =	vst v63  }
0x91: {  	_ = 	snop  }
0x92: {  	[spmem:s2] =	stream.indirect.scatter.add.f32 [tilespmem:s17], [sflag:$0x3], $0x80, s22, s16, $0xb8;
	[tilespmem:$0x1E800] =	vst v63  }
0x93: {  	_ =	swait.ge [sflag:s14], $0x4000  }
0x94: {  	[sflag:s14] =	ssyncset.done $0x0  }
0x95: {  	[sflag:s14] =	ssyncadd.s32 $0xFFFFC000  }
0x96: {  	_ =	swait.ge [sflag:s20], $0x4000  }
0x97: {  	[sflag:s20] =	ssyncset.done $0x0  }
0x98: {  	[sflag:s20] =	ssyncadd.s32 $0xFFFFC000  }
0x99: {  	[tilespmem:s17], [sflag:$0x1] =	stream.indirect.gather [hbm4b:s4+s16], $0x80, s3, s16, $0xb8;
	[tilespmem:$0x1E800] =	vst v63  }
0x9a: {  	_ = 	snop  }
0x9b: {  	[spmem:s2] =	stream.indirect.scatter.add.f32 [tilespmem:s19], [sflag:$0x3], $0x80, s23, s16, $0xb8;
	[tilespmem:$0x1E800] =	vst v63  }
0x9c: {  	_ =	swait.ge [sflag:s14], $0x4000  }
0x9d: {  	[sflag:s14] =	ssyncset.done $0x0  }
0x9e: {  	[sflag:s14] =	ssyncadd.s32 $0xFFFFC000  }
0x9f: {  	_ =	swait.ge [sflag:s18], $0x4000  }
0xa0: {  	s24 =	sadd.s32 $0x1, s24;
	[sflag:s18] =	ssyncset.done $0x0  }
0xa1: {  	p0 =	sne.s32 s24, s12;
	[sflag:s18] =	ssyncadd.s32 $0xFFFFC000  }
.Ltmp2:
0xa2: {  	[bflag:$0x0] =	sbarrier.arrive $0xFFFF;
	(pc) =	sbr.rel @p0 .LBB2_1-.Ltmp2, $4  }
0xa3: {  	[hbm:s11], [sflag:s6] =	dma.local [spmem:s13], $0x2800  }
0xa4: {  	_ =	swait.ge [sflag:s14], $0x2800  }
0xa5: {  	[sflag:s14] =	ssyncset.done $0x0  }
0xa6: {  	[sflag:s14] =	ssyncadd.s32 $0xFFFFD800  }
0xa7: {  	_ =	sfence.sel $0x180000  }
0xa8: {  	[bflag:$0x0] =	sbarrier.arrive $0xFFFF  }
0xa9: {  	p0 =	sne.s32 s0, $0x0;
	_ =	strace $0x9000004A  }
0xaa: {  	s0 =	sadd.s32 @!p0 $0x100000, s1;
	[bflag:$0x2] =	sbarrier.arrive $0xFFFF  }
0xab: {  	[sflag:s0] =	ssyncadd.tile.s32 @!p0 $0x1;
	_ =	shalt  }
.Lfunc_end2:
_tile_overlayer_lowered:
.L_overlay_start_2:
0xac: {  	(tag) =	ssettag $0x2  }
0xad: {  	s0 =	rddreg [dreg:$0x0];
	s2 =	stileid.u32  }
0xae: {  	s1 =	rddreg [dreg:$0x1];
	p0 =	sne.s32 s2, $0x0  }
0xaf: {  	s3 =	rddreg [dreg:$0x2];
	[bflag:$0x3] =	sbarrier.arrive $0xFFFF;
	s2 =	simm.s32 @!p0 $0x1C03  }
0xb0: {  	[timem:s3], [sflag:s2] =	dma.local @!p0 [hbm:s0], s1  }
0xb1: {  	s0 =	simm.s32 @!p0 $0x3  }
0xb2: {  	_ =	swait.ge @!p0 [sflag:s0], s1  }
0xb3: {  	s1 =	ssub.s32 @!p0 $0x0, s1;
	[sflag:s0] =	ssyncset.done @!p0 $0x0  }
0xb4: {  	[sflag:s0] =	ssyncadd.s32 @!p0 s1  }
0xb5: {  	[bflag:$0x3] =	sbarrier.arrive $0xFFFF  }
0xb6: {  	_ =	shalt  }

// kernel: kernel.14.cloned.1.call-start
scs
__scs_entry_jumppad:
0x0: {  	(pc) =	sbr.rel $0x88, $3  }
0x1: {  	(tag) =	ssettag $0x0;
	lr =	simm.s32 $0x1  }
0x2: {  	[smem:$0x3F9B] =	sst lr;
	_ =	strace $0xD0000000  }
0x3: {  	_ = 	snop  }
0x4: {  	_ = 	snop  }
0x5: {  	_ = 	snop  }
0x6: {  	_ = 	snop  }
0x7: {  	_ = 	snop  }
__scs_overlays_trampoline_lowered:
0x8: {  	[smem:$0x3FAA] =	sst s0  }
0x9: {  	[smem:$0x3FAB] =	sst s1  }
0xa: {  	[smem:$0x3FAC] =	sst s2  }
0xb: {  	[smem:$0x3FAD] =	sst s3  }
0xc: {  	[smem:$0x3FAE] =	sst s4  }
0xd: {  	[smem:$0x3FAF] =	sst s5  }
0xe: {  	[smem:$0x3FB0] =	sst s6  }
0xf: {  	[smem:$0x3FB1] =	sst s7  }
0x10: {  	[smem:$0x3FB2] =	sst s8  }
0x11: {  	[smem:$0x3FB3] =	sst s9;
	s0 =	simm.s32 @!p0 $0x0  }
0x12: {  	s1 =	sld [smem:$0x3F99];
	s0 =	simm.s32 @p0 $0x1  }
0x13: {  	[smem:$0x3FB4] =	sst s0;
	s0 =	simm.s32 @!p1 $0x0  }
0x14: {  	s2 =	sld [smem:$0x3F98];
	s0 =	simm.s32 @p1 $0x1  }
0x15: {  	[smem:$0x3FB5] =	sst s0;
	s0 =	simm.s32 @!p2 $0x0  }
0x16: {  	s3 =	sld [smem:$0x3FDB];
	s0 =	simm.s32 @p2 $0x1  }
0x17: {  	s4 =	simm.s32 $0x1BF5;
	[smem:$0x3FB7] =	sst s0  }
0x18: {  	s0 =	sld [smem:$0x3F9A];
	_ =	swait.ge [sflag:s4], $0x0  }
0x19: {  	s7 =	sld [smem:$0x3F9B]  }
0x1a: {  	s8 =	sadd.s32 $0xFFFFE003, lr  }
0x1b: {  	s9 =	sadd.s32 $0xFFFFFEF7, lr;
	s5 =	simm.s32 $0xFFFFFFFF;
	p2 =	slt.u32 s8, $0xFFFFF086  }
0x1c: {  	p1 =	slt.u32 s9, $0xF7A;
	s5 =	simm.s32 @!p2 $0x0  }
0x1d: {  	s5 =	simm.s32 @p1 $0x1;
	p0 =	seq.s32 s7, s2  }
0x1e: {  	s7 =	smul.u32 @!p0 $0xF7A, s2;
	p2 =	seq.s32 @!p0 s5, $0x0  }
0x1f: {  	s9 =	smul.u32 $0xF7A, s1;
	s8 =	simm.s32 @!p0 $0x1BF5;
	p2 =	por !p2, p0  }
0x20: {  	[sflag:s8] =	ssyncset.s32 @!p0 $0xFFFFF086;
	s6 =	sadd.s32 @!p0 s3, s7;
	s7 =	simm.s32 @!p0 $0x108  }
0x21: {  	s3 =	sadd.s32 s3, s9;
	s6 =	sadd.s32 @!p0 $0x88, s6;
	s7 =	simm.s32 @p2 $0x1082  }
0x22: {  	[simem:s7], [sflag:s8] =	dma.local @!p0 [hbm:s6], $0xF7A  }
0x23: {  	s9 =	sor.u32 $0xD0000000, s2;
	s6 =	simm.s32 $0x108;
	_ =	swait.ge @!p0 [sflag:s8], $0x0  }
0x24: {  	s3 =	sadd.s32 $0x88, s3;
	s6 =	simm.s32 @!p1 $0x1082;
	[sflag:s4] =	ssyncset.s32 $0xFFFFF086  }
0x25: {  	[simem:s6], [sflag:s4] =	dma.local [hbm:s3], $0xF7A  }
0x26: {  	[smem:$0x3F9B] =	sst s1;
	(tag) =	ssettag s2;
	_ =	strace s9  }
0x27: {  	s1 =	sld [smem:$0x3FAB]  }
0x28: {  	s2 =	sld [smem:$0x3FAC]  }
0x29: {  	s4 =	sld [smem:$0x3FAE]  }
0x2a: {  	p0 =	seq.s32 s5, $0x0;
	s5 =	sld [smem:$0x3FAF]  }
0x2b: {  	s6 =	sld [smem:$0x3FB0]  }
0x2c: {  	s7 =	sld [smem:$0x3FB1]  }
0x2d: {  	s3 =	simm.s32 $0x108;
	s8 =	sld [smem:$0x3FB2]  }
0x2e: {  	s3 =	simm.s32 @!p0 $0x1082;
	s9 =	sld [smem:$0x3FB3]  }
0x2f: {  	lr =	sadd.s32 s0, s3;
	s0 =	sld [smem:$0x3FAA]  }
0x30: {  	s3 =	sld [smem:$0x3FAD]  }
0x31: {  	[smem:$0x3FB6] =	sst s10  }
0x32: {  	s10 =	sld [smem:$0x3FB4];
	_ =	sdelay $0x3  }
0x33: {  	p0 =	seq.s32 s10, $0x1;
	s10 =	sld [smem:$0x3FB6];
	_ =	sdelay $0x3  }
0x34: {  	[smem:$0x3FB6] =	sst s10  }
0x35: {  	s10 =	sld [smem:$0x3FB5];
	_ =	sdelay $0x3  }
0x36: {  	p1 =	seq.s32 s10, $0x1;
	s10 =	sld [smem:$0x3FB6];
	_ =	sdelay $0x3  }
0x37: {  	[smem:$0x3FB6] =	sst s10  }
0x38: {  	s10 =	sld [smem:$0x3FB7]  }
0x39: {  	_ = 	snop;
	(pc) =	sbr.ind lr, $3  }
0x3a: {  	_ = 	snop  }
0x3b: {  	_ = 	snop  }
0x3c: {  	p2 =	seq.s32 s10, $0x1;
	s10 =	sld [smem:$0x3FB6]  }
0x3d: {  	_ =	shalt  }
0x3e: {  	_ =	shalt  }
0x3f: {  	_ =	shalt  }
0x40: {  	_ =	shalt  }
0x41: {  	_ =	shalt  }
0x42: {  	_ =	shalt  }
0x43: {  	_ =	shalt  }
0x44: {  	_ =	shalt  }
0x45: {  	_ =	shalt  }
0x46: {  	_ =	shalt  }
0x47: {  	_ =	shalt  }
0x48: {  	_ =	shalt  }
0x49: {  	_ =	shalt  }
0x4a: {  	_ =	shalt  }
0x4b: {  	_ =	shalt  }
0x4c: {  	_ =	shalt  }
0x4d: {  	_ =	shalt  }
0x4e: {  	_ =	shalt  }
0x4f: {  	_ =	shalt  }
0x50: {  	_ =	shalt  }
0x51: {  	_ =	shalt  }
0x52: {  	_ =	shalt  }
0x53: {  	_ =	shalt  }
0x54: {  	_ =	shalt  }
0x55: {  	_ =	shalt  }
0x56: {  	_ =	shalt  }
0x57: {  	_ =	shalt  }
0x58: {  	_ =	shalt  }
0x59: {  	_ =	shalt  }
0x5a: {  	_ =	shalt  }
0x5b: {  	_ =	shalt  }
0x5c: {  	_ =	shalt  }
0x5d: {  	_ =	shalt  }
0x5e: {  	_ =	shalt  }
0x5f: {  	_ =	shalt  }
0x60: {  	_ =	shalt  }
0x61: {  	_ =	shalt  }
0x62: {  	_ =	shalt  }
0x63: {  	_ =	shalt  }
0x64: {  	_ =	shalt  }
0x65: {  	_ =	shalt  }
0x66: {  	_ =	shalt  }
0x67: {  	_ =	shalt  }
0x68: {  	_ =	shalt  }
0x69: {  	_ =	shalt  }
0x6a: {  	_ =	shalt  }
0x6b: {  	_ =	shalt  }
0x6c: {  	_ =	shalt  }
0x6d: {  	_ =	shalt  }
0x6e: {  	_ =	shalt  }
0x6f: {  	_ =	shalt  }
0x70: {  	_ =	shalt  }
0x71: {  	_ =	shalt  }
0x72: {  	_ =	shalt  }
0x73: {  	_ =	shalt  }
0x74: {  	_ =	shalt  }
0x75: {  	_ =	shalt  }
0x76: {  	_ =	shalt  }
0x77: {  	_ =	shalt  }
0x78: {  	_ =	shalt  }
0x79: {  	_ =	shalt  }
0x7a: {  	_ =	shalt  }
0x7b: {  	_ =	shalt  }
0x7c: {  	_ =	shalt  }
0x7d: {  	_ =	shalt  }
0x7e: {  	_ =	shalt  }
0x7f: {  	_ =	shalt  }
0x80: {  	_ =	shalt  }
0x81: {  	_ =	shalt  }
0x82: {  	_ =	shalt  }
0x83: {  	_ =	shalt  }
0x84: {  	_ =	shalt  }
0x85: {  	_ =	shalt  }
0x86: {  	_ =	shalt  }
0x87: {  	_ =	shalt  }
.Lfunc_end0:
.L_simem_size_0:
called_computation.2_lowered:
.L_overlay_start_0:
0x88: {  	s2 =	sld [smem:$0x3FD9]  }
0x89: {  	s3 =	sld [smem:$0x3FFE];
	_ =	sdelay $0x1  }
0x8a: {  	s1 =	srdreg.scid  }
0x8b: {  	s0 =	sand.u32 $0x1, s1  }
0x8c: {  	s16 =	sshll.u32 s0, $0xA;
	s2 =	sadd.s32 s3, s2  }
0x8d: {  	s2 =	sadd.s32 s2, s16  }
0x8e: {  	[smem:$0x3FC2] =	sst s2  }
0x8f: {  	_ = 	snop  }
0x90: {  	(tm) =	ssettm $0x1  }
0x91: {  	s17 =	sld [smem:$0x3FFB];
	_ =	sdelay $0x3  }
0x92: {  	_ =	strace s17  }
0x93: {  	s2 =	sld [smem:$0x3FFC];
	_ =	sdelay $0x3  }
0x94: {  	_ =	strace s2  }
0x95: {  	s2 =	sld [smem:$0x3FFD];
	_ =	sdelay $0x3  }
0x96: {  	_ =	strace s2  }
0x97: {  	_ =	strace $0x8FFFFFFF  }
0x98: {  	s18 =	sld [smem:$0x3FDB];
	_ =	sdelay $0x1  }
0x99: {  	s19 =	simm.s32 $_scs_section_size  }
0x9a: {  	s4 =	simm.s32 $_size__tile_overlayer_lowered;
	s5 =	simm.s32 $_tile_overlayer_lowered  }
0x9b: {  	s22 =	simm.s32 $0x1BFF;
	s21 =	sshll.u32 s5, $0x1;
	s2 =	sadd.s32 s19, s18  }
0x9c: {  	s6 =	simm.s32 $0x0;
	s20 =	sshll.u32 s4, $0x1;
	s4 =	sadd.s32 s21, s2  }
0x9d: {  	[timem:s6], [sflag:s22] =	dma.local [hbm:s4], s20  }
0x9e: {  	_ =	swait.ge [sflag:s22], s20  }
0x9f: {  	s3 =	ssub.s32 $0x0, s20;
	[sflag:s22] =	ssyncset.done $0x0  }
0xa0: {  	[sflag:s22] =	ssyncadd.s32 s3;
	_ =	sdelay $0x1  }
0xa1: {  	s23 =	simm.s32 $0x1B8B  }
0xa2: {  	_ =	swait.ge [sflag:s23], $0x1  }
0xa3: {  	[sflag:s23] =	ssyncset.done $0x0  }
0xa4: {  	s25 =	simm.s32 $0x1B8E;
	s24 =	sld [smem:$0x3FFE];
	[sflag:s23] =	ssyncadd.s32 $0xFFFFFFFF  }
0xa5: {  	s26 =	simm.s32 $execute0_lowered;
	[smem:$0x3FD2] =	sst s25  }
0xa6: {  	s4 =	sshll.u32 s26, $0x1;
	_ =	strace $0x8000004C;
	[dreg:$0x1] =	wrdreg $0xFFFFFFFF  }
0xa7: {  	s28 =	simm.s32 $_size_execute0_lowered;
	s2 =	sadd.s32 s2, s4;
	[dreg:$0x0] =	wrdreg $0x0  }
0xa8: {  	s4 =	sshll.u32 s28, $0x1;
	[dreg:$0x2] =	wrdreg s2  }
0xa9: {  	[dreg:$0x3] =	wrdreg s4  }
0xaa: {  	[dreg:$0x4] =	wrdreg $0xC0  }
0xab: {  	_ =	task [dreg:s6], $0x5FFFF  }
0xac: {  	[dreg:$0x1] =	wrdreg $0xFFFFFFFF  }
0xad: {  	[dreg:$0x0] =	wrdreg $0x60  }
0xae: {  	[dreg:$0x2] =	wrdreg s24  }
0xaf: {  	[dreg:$0x3] =	wrdreg $0xA8000  }
0xb0: {  	[dreg:$0x4] =	wrdreg $0x9  }
0xb1: {  	_ =	task.clear_ibuf [dreg:s6], $0x5FFFF;
	_ =	strace $0x9000004C  }
0xb2: {  	s29 =	simm.s32 $0x9;
	_ =	strace $0x8000004E  }
0xb3: {  	_ =	swait.ge [sflag:s29], $0x1  }
0xb4: {  	[sflag:s29] =	ssyncadd.s32 $0xFFFFFFFF  }
0xb5: {  	_ =	strace $0x9000004E  }
0xb6: {  	_ =	sfence  }
0xb7: {  	s30 =	sld [smem:$0x0];
	_ =	sdelay $0x2  }
0xb8: {  	s31 =	sshll.u32 s1, $0xD;
	s1 =	sshrl.u32 s1, $0x2  }
0xb9: {  	s3 =	sand.u32 $0x4000, s31;
	s1 =	sadd.s32 s1, s30  }
0xba: {  	s0 =	sor.u32 s3, s0;
	s1 =	sshll.u32 s1, $0x11  }
0xbb: {  	s0 =	sor.u32 s1, s0  }
0xbc: {  	s0 =	sadd.s32 $0x8F2B, s0  }
0xbd: {  	[sflag:s0] =	ssyncadd.remote.s32 $0x1  }
0xbe: {  	_ =	sfence.sel $0xFFFF  }
0xbf: {  	[dreg:$0x0] =	wrdreg $0xFFFFFFFF;
	(pc) =	sbr.abs _section_cstart, $3  }
0xc0: {  	[dreg:$0x1] =	wrdreg $0xFFFFFFFF  }
0xc1: {  	_ =	task.clear_ibuf [dreg:s6], $0x2FFFF;
	_ =	strace $0x9FFFFFFF  }
0xc2: {  	(tm) =	ssettm $0x7FFFFFFF  }
0xc3: {  	_ =	shalt  }
tec
execute0_lowered:
.L_overlay_start_1:
0x0: {  	(tag) =	ssettag $0x1  }
0x1: {  	s5 =	rddreg [dreg:$0x0]  }
0x2: {  	s2 =	rddreg [dreg:$0x1]  }
0x3: {  	s0 =	srdreg.scid;
	s1 =	rddreg [dreg:$0x2]  }
0x4: {  	s3 =	simm.s32 $0x0;
	s16 =	simm.s32 $0x80;
	s17 =	simm.s32 $0x2800  }
0x5: {  	s18 =	simm.s32 $0x1;
	s19 =	simm.s32 $0x6800;
	s6 =	sand.u32 $0x1, s0  }
0x6: {  	s20 =	simm.s32 $0x2;
	s0 =	stileid.u32;
	s4 =	smul.u32 $0x28000, s6  }
0x7: {  	s21 =	simm.s32 $0x1380;
	s22 =	simm.s32 $0x2700;
	s7 =	smul.u32 $0x2800, s0  }
0x8: {  	s23 =	simm.s32 $0x2780;
	[smem:$0x7FF] =	sst s3;
	s8 =	smul.u32 $0x140000, s6  }
0x9: {  	s24 =	simm.s32 $0x0;
	s10 =	smul.u32 $0x14000, s0;
	_ =	strace $0x8000004D  }
0xa: {  	s6 =	ssub.s32 $0x2, s6;
	s28 =	smul.u32 $0x50000, s0;
	s31 =	sshll.u32 s0, $0x6  }
0xb: {  	s29 =	sshrl.u32 s6, $0x1;
	s9 =	sadd.s32 s7, s4;
	s4 =	sadd.s32 $0x7200, s5  }
0xc: {  	s7 =	sshrl.u32 s7, $0x3;
	s8 =	sadd.s32 s10, s8;
	s14 =	ssub.s32 s6, s29  }
0xd: {  	s30 =	sshrl.u32 s28, $0x2;
	s6 =	sor.u32 $0x1C03, s31;
	s11 =	sshrl.u32 s9, $0x3  }
0xe: {  	s8 =	sshrl.u32 s8, $0x3;
	s12 =	sadd.s32 s7, s5;
	s15 =	sadd.s32 s30, s2  }
0xf: {  	s11 =	sadd.s32 s11, s5;
	s13 =	sadd.s32 s8, s5;
	s5 =	sadd.s32 s4, s9  }
0x10: {  	s8 =	sadd.s32 $0x2200, s12;
	s10 =	sadd.s32 $0x2480, s12;
	s12 =	smax.u32 s14, $0x1  }
0x11: {  	s14 =	simm.s32 $0x3;
	s7 =	sadd.s32 $0xA7200, s11;
	s9 =	sadd.s32 $0xA7480, s11  }
0x12: {  	s11 =	sadd.s32 $0x57200, s13;
	s13 =	sshrl.u32 s15, $0x3;
	s15 =	simm.s32 $0x1400  }
.LBB2_1:
0x13: {  	[spmem:s13], [sflag:s6] =	dma.local [hbm:s5], $0x2800  }
0x14: {  	_ =	swait.ge [sflag:s14], $0x2800  }
0x15: {  	[sflag:s14] =	ssyncset.done $0x0  }
0x16: {  	[sflag:s14] =	ssyncadd.s32 $0xFFFFD800  }
0x17: {  	[bflag:$0x0] =	sbarrier.arrive $0xFFFF  }
0x18: {  	[tilespmem:s3], [sflag:$0x3] =	stream.linear.gather [hbm4b:s7+s3], $0x1400, $0x38;
	[tilespmem:$0x1E800] =	vst v63  }
0x19: {  	_ =	swait.ge [sflag:s14], $0x1400  }
0x1a: {  	[sflag:s14] =	ssyncset.done $0x0  }
0x1b: {  	[sflag:s14] =	ssyncadd.s32 $0xFFFFEC00  }
0x1c: {  	[tilespmem:s15], [sflag:$0x3] =	stream.linear.gather [hbm4b:s8+s3], $0x1400, $0x38;
	[tilespmem:$0x1E800] =	vst v63  }
0x1d: {  	_ =	swait.ge [sflag:s14], $0x1400  }
0x1e: {  	[sflag:s14] =	ssyncset.done $0x0  }
0x1f: {  	[sflag:s14] =	ssyncadd.s32 $0xFFFFEC00  }
0x20: {  	[tilespmem:s17], [sflag:$0x1] =	stream.indirect.gather [hbm4b:s4+s16], $0x80, s3, s16, $0xb8;
	[tilespmem:$0x1E800] =	vst v63  }
0x21: {  	_ =	swait.ge [sflag:s18], $0x4000  }
0x22: {  	[sflag:s18] =	ssyncset.done $0x0  }
0x23: {  	s25 =	simm.s32 $0x80;
	[sflag:s18] =	ssyncadd.s32 $0xFFFFC000  }
0x24: {  	[tilespmem:s19], [sflag:$0x2] =	stream.indirect.gather [hbm4b:s4+s16], $0x80, s25, s16, $0xb8;
	[tilespmem:$0x1E800] =	vst v63  }
0x25: {  	s29 =	simm.s32 $0x1400  }
0x26: {  	[spmem:s2] =	stream.indirect.scatter.add.f32 [tilespmem:s17], [sflag:$0x3], $0x80, s29, s16, $0xb8;
	[tilespmem:$0x1E800] =	vst v63  }
0x27: {  	_ =	swait.ge [sflag:s14], $0x4000  }
0x28: {  	[sflag:s14] =	ssyncset.done $0x0  }
0x29: {  	[sflag:s14] =	ssyncadd.s32 $0xFFFFC000  }
0x2a: {  	_ =	swait.ge [sflag:s20], $0x4000  }
0x2b: {  	[sflag:s20] =	ssyncset.done $0x0  }
0x2c: {  	s30 =	simm.s32 $0x100;
	[sflag:s20] =	ssyncadd.s32 $0xFFFFC000  }
0x2d: {  	[tilespmem:s17], [sflag:$0x1] =	stream.indirect.gather [hbm4b:s4+s16], $0x80, s30, s16, $0xb8;
	[tilespmem:$0x1E800] =	vst v63  }
0x2e: {  	s31 =	simm.s32 $0x1480  }
0x2f: {  	[spmem:s2] =	stream.indirect.scatter.add.f32 [tilespmem:s19], [sflag:$0x3], $0x80, s31, s16, $0xb8;
	[tilespmem:$0x1E800] =	vst v63  }
0x30: {  	_ =	swait.ge [sflag:s14], $0x4000  }
0x31: {  	s25 =	simm.s32 $0x400;
	[sflag:s14] =	ssyncset.done $0x0  }
.LBB2_2:
0x32: {  	p0 =	sne.s32 s25, $0x4800  }
0x33: {  	[sflag:s14] =	ssyncadd.s32 $0xFFFFC000;
	s26 =	smov.u32 s25;
	s25 =	sadd.s32 $0x400, s25  }
0x34: {  	_ = 	snop  }
0x35: {  	_ =	swait.ge [sflag:s18], $0x4000  }
0x36: {  	s26 =	sshra.s32 s26, $0x2;
	[sflag:s18] =	ssyncset.done $0x0  }
0x37: {  	s28 =	sadd.s32 $0x80, s26;
	[sflag:s18] =	ssyncadd.s32 $0xFFFFC000  }
0x38: {  	[tilespmem:s19], [sflag:$0x2] =	stream.indirect.gather [hbm4b:s4+s16], $0x80, s28, s16, $0xb8;
	[tilespmem:$0x1E800] =	vst v63  }
0x39: {  	s28 =	sadd.s32 $0x1400, s26  }
0x3a: {  	[spmem:s2] =	stream.indirect.scatter.add.f32 [tilespmem:s17], [sflag:$0x3], $0x80, s28, s16, $0xb8;
	[tilespmem:$0x1E800] =	vst v63  }
0x3b: {  	_ =	swait.ge [sflag:s14], $0x4000  }
0x3c: {  	[sflag:s14] =	ssyncset.done $0x0  }
0x3d: {  	[sflag:s14] =	ssyncadd.s32 $0xFFFFC000  }
0x3e: {  	_ =	swait.ge [sflag:s20], $0x4000  }
0x3f: {  	[sflag:s20] =	ssyncset.done $0x0  }
0x40: {  	s28 =	sadd.s32 $0x100, s26;
	[sflag:s20] =	ssyncadd.s32 $0xFFFFC000  }
0x41: {  	[tilespmem:s17], [sflag:$0x1] =	stream.indirect.gather [hbm4b:s4+s16], $0x80, s28, s16, $0xb8;
	[tilespmem:$0x1E800] =	vst v63  }
.Ltmp0:
0x42: {  	_ = 	snop;
	(pc) =	sbr.rel @p0 .LBB2_2-.Ltmp0, $4  }
0x43: {  	s26 =	sadd.s32 $0x1480, s26  }
0x44: {  	[spmem:s2] =	stream.indirect.scatter.add.f32 [tilespmem:s19], [sflag:$0x3], $0x80, s26, s16, $0xb8;
	[tilespmem:$0x1E800] =	vst v63  }
0x45: {  	_ =	swait.ge [sflag:s14], $0x4000  }
0x46: {  	[sflag:s14] =	ssyncset.done $0x0  }
0x47: {  	[sflag:s14] =	ssyncadd.s32 $0xFFFFC000  }
0x48: {  	_ =	swait.ge [sflag:s18], $0x4000  }
0x49: {  	[sflag:s18] =	ssyncset.done $0x0  }
0x4a: {  	[sflag:s18] =	ssyncadd.s32 $0xFFFFC000  }
0x4b: {  	[tilespmem:s19], [sflag:$0x2] =	stream.indirect.gather [hbm4b:s4+s16], $0x80, s21, s16, $0xb8;
	[tilespmem:$0x1E800] =	vst v63  }
0x4c: {  	_ = 	snop  }
0x4d: {  	[spmem:s2] =	stream.indirect.scatter.add.f32 [tilespmem:s17], [sflag:$0x3], $0x80, s22, s16, $0xb8;
	[tilespmem:$0x1E800] =	vst v63  }
0x4e: {  	_ =	swait.ge [sflag:s14], $0x4000  }
0x4f: {  	[sflag:s14] =	ssyncset.done $0x0  }
0x50: {  	[sflag:s14] =	ssyncadd.s32 $0xFFFFC000  }
0x51: {  	_ =	swait.ge [sflag:s20], $0x4000  }
0x52: {  	[sflag:s20] =	ssyncset.done $0x0  }
0x53: {  	s25 =	simm.s32 $0x0;
	[sflag:s20] =	ssyncadd.s32 $0xFFFFC000  }
0x54: {  	[tilespmem:s17], [sflag:$0x1] =	stream.indirect.gather [hbm4b:s4+s16], $0x80, s25, s16, $0xb8;
	[tilespmem:$0x1E800] =	vst v63  }
0x55: {  	_ = 	snop  }
0x56: {  	[spmem:s2] =	stream.indirect.scatter.add.f32 [tilespmem:s19], [sflag:$0x3], $0x80, s23, s16, $0xb8;
	[tilespmem:$0x1E800] =	vst v63  }
0x57: {  	_ =	swait.ge [sflag:s14], $0x4000  }
0x58: {  	[sflag:s14] =	ssyncset.done $0x0  }
0x59: {  	[sflag:s14] =	ssyncadd.s32 $0xFFFFC000  }
0x5a: {  	_ =	swait.ge [sflag:s18], $0x4000  }
0x5b: {  	[sflag:s18] =	ssyncset.done $0x0  }
0x5c: {  	[sflag:s18] =	ssyncadd.s32 $0xFFFFC000  }
0x5d: {  	[tilespmem:s25], [sflag:$0x3] =	stream.linear.gather [hbm4b:s9+s25], $0x1400, $0x38;
	[tilespmem:$0x1E800] =	vst v63  }
0x5e: {  	_ =	swait.ge [sflag:s14], $0x1400  }
0x5f: {  	[sflag:s14] =	ssyncset.done $0x0  }
0x60: {  	[sflag:s14] =	ssyncadd.s32 $0xFFFFEC00  }
0x61: {  	[tilespmem:s15], [sflag:$0x3] =	stream.linear.gather [hbm4b:s10+s25], $0x1400, $0x38;
	[tilespmem:$0x1E800] =	vst v63  }
0x62: {  	_ =	swait.ge [sflag:s14], $0x1400  }
0x63: {  	[sflag:s14] =	ssyncset.done $0x0  }
0x64: {  	[sflag:s14] =	ssyncadd.s32 $0xFFFFEC00  }
0x65: {  	[tilespmem:s17], [sflag:$0x1] =	stream.indirect.gather [hbm4b:s4+s16], $0x80, s25, s16, $0xb8;
	[tilespmem:$0x1E800] =	vst v63  }
0x66: {  	_ =	swait.ge [sflag:s18], $0x4000  }
0x67: {  	[sflag:s18] =	ssyncset.done $0x0  }
0x68: {  	s28 =	simm.s32 $0x80;
	[sflag:s18] =	ssyncadd.s32 $0xFFFFC000  }
0x69: {  	[tilespmem:s19], [sflag:$0x2] =	stream.indirect.gather [hbm4b:s4+s16], $0x80, s28, s16, $0xb8;
	[tilespmem:$0x1E800] =	vst v63  }
0x6a: {  	s29 =	simm.s32 $0x1400  }
0x6b: {  	[spmem:s2] =	stream.indirect.scatter.add.f32 [tilespmem:s17], [sflag:$0x3], $0x80, s29, s16, $0xb8;
	[tilespmem:$0x1E800] =	vst v63  }
0x6c: {  	_ =	swait.ge [sflag:s14], $0x4000  }
0x6d: {  	[sflag:s14] =	ssyncset.done $0x0  }
0x6e: {  	[sflag:s14] =	ssyncadd.s32 $0xFFFFC000  }
0x6f: {  	_ =	swait.ge [sflag:s20], $0x4000  }
0x70: {  	[sflag:s20] =	ssyncset.done $0x0  }
0x71: {  	s30 =	simm.s32 $0x100;
	[sflag:s20] =	ssyncadd.s32 $0xFFFFC000  }
0x72: {  	[tilespmem:s17], [sflag:$0x1] =	stream.indirect.gather [hbm4b:s4+s16], $0x80, s30, s16, $0xb8;
	[tilespmem:$0x1E800] =	vst v63  }
0x73: {  	s31 =	simm.s32 $0x1480  }
0x74: {  	[spmem:s2] =	stream.indirect.scatter.add.f32 [tilespmem:s19], [sflag:$0x3], $0x80, s31, s16, $0xb8;
	[tilespmem:$0x1E800] =	vst v63  }
0x75: {  	_ =	swait.ge [sflag:s14], $0x4000  }
0x76: {  	s25 =	simm.s32 $0x400;
	[sflag:s14] =	ssyncset.done $0x0  }
.LBB2_4:
0x77: {  	p0 =	sne.s32 s25, $0x4800  }
0x78: {  	[sflag:s14] =	ssyncadd.s32 $0xFFFFC000;
	s26 =	smov.u32 s25;
	s25 =	sadd.s32 $0x400, s25  }
0x79: {  	_ = 	snop  }
0x7a: {  	_ =	swait.ge [sflag:s18], $0x4000  }
0x7b: {  	s26 =	sshra.s32 s26, $0x2;
	[sflag:s18] =	ssyncset.done $0x0  }
0x7c: {  	s28 =	sadd.s32 $0x80, s26;
	[sflag:s18] =	ssyncadd.s32 $0xFFFFC000  }
0x7d: {  	[tilespmem:s19], [sflag:$0x2] =	stream.indirect.gather [hbm4b:s4+s16], $0x80, s28, s16, $0xb8;
	[tilespmem:$0x1E800] =	vst v63  }
0x7e: {  	s28 =	sadd.s32 $0x1400, s26  }
0x7f: {  	[spmem:s2] =	stream.indirect.scatter.add.f32 [tilespmem:s17], [sflag:$0x3], $0x80, s28, s16, $0xb8;
	[tilespmem:$0x1E800] =	vst v63  }
0x80: {  	_ =	swait.ge [sflag:s14], $0x4000  }
0x81: {  	[sflag:s14] =	ssyncset.done $0x0  }
0x82: {  	[sflag:s14] =	ssyncadd.s32 $0xFFFFC000  }
0x83: {  	_ =	swait.ge [sflag:s20], $0x4000  }
0x84: {  	[sflag:s20] =	ssyncset.done $0x0  }
0x85: {  	s28 =	sadd.s32 $0x100, s26;
	[sflag:s20] =	ssyncadd.s32 $0xFFFFC000  }
0x86: {  	[tilespmem:s17], [sflag:$0x1] =	stream.indirect.gather [hbm4b:s4+s16], $0x80, s28, s16, $0xb8;
	[tilespmem:$0x1E800] =	vst v63  }
.Ltmp1:
0x87: {  	_ = 	snop;
	(pc) =	sbr.rel @p0 .LBB2_4-.Ltmp1, $4  }
0x88: {  	s26 =	sadd.s32 $0x1480, s26  }
0x89: {  	[spmem:s2] =	stream.indirect.scatter.add.f32 [tilespmem:s19], [sflag:$0x3], $0x80, s26, s16, $0xb8;
	[tilespmem:$0x1E800] =	vst v63  }
0x8a: {  	_ =	swait.ge [sflag:s14], $0x4000  }
0x8b: {  	[sflag:s14] =	ssyncset.done $0x0  }
0x8c: {  	[sflag:s14] =	ssyncadd.s32 $0xFFFFC000  }
0x8d: {  	_ =	swait.ge [sflag:s18], $0x4000  }
0x8e: {  	[sflag:s18] =	ssyncset.done $0x0  }
0x8f: {  	[sflag:s18] =	ssyncadd.s32 $0xFFFFC000  }
0x90: {  	[tilespmem:s19], [sflag:$0x2] =	stream.indirect.gather [hbm4b:s4+s16], $0x80, s21, s16, $0xb8;
	[tilespmem:$0x1E800] =	vst v63  }
0x91: {  	_ = 	snop  }
0x92: {  	[spmem:s2] =	stream.indirect.scatter.add.f32 [tilespmem:s17], [sflag:$0x3], $0x80, s22, s16, $0xb8;
	[tilespmem:$0x1E800] =	vst v63  }
0x93: {  	_ =	swait.ge [sflag:s14], $0x4000  }
0x94: {  	[sflag:s14] =	ssyncset.done $0x0  }
0x95: {  	[sflag:s14] =	ssyncadd.s32 $0xFFFFC000  }
0x96: {  	_ =	swait.ge [sflag:s20], $0x4000  }
0x97: {  	[sflag:s20] =	ssyncset.done $0x0  }
0x98: {  	[sflag:s20] =	ssyncadd.s32 $0xFFFFC000  }
0x99: {  	[tilespmem:s17], [sflag:$0x1] =	stream.indirect.gather [hbm4b:s4+s16], $0x80, s3, s16, $0xb8;
	[tilespmem:$0x1E800] =	vst v63  }
0x9a: {  	_ = 	snop  }
0x9b: {  	[spmem:s2] =	stream.indirect.scatter.add.f32 [tilespmem:s19], [sflag:$0x3], $0x80, s23, s16, $0xb8;
	[tilespmem:$0x1E800] =	vst v63  }
0x9c: {  	_ =	swait.ge [sflag:s14], $0x4000  }
0x9d: {  	[sflag:s14] =	ssyncset.done $0x0  }
0x9e: {  	[sflag:s14] =	ssyncadd.s32 $0xFFFFC000  }
0x9f: {  	_ =	swait.ge [sflag:s18], $0x4000  }
0xa0: {  	s24 =	sadd.s32 $0x1, s24;
	[sflag:s18] =	ssyncset.done $0x0  }
0xa1: {  	p0 =	sne.s32 s24, s12;
	[sflag:s18] =	ssyncadd.s32 $0xFFFFC000  }
.Ltmp2:
0xa2: {  	[bflag:$0x0] =	sbarrier.arrive $0xFFFF;
	(pc) =	sbr.rel @p0 .LBB2_1-.Ltmp2, $4  }
0xa3: {  	[hbm:s11], [sflag:s6] =	dma.local [spmem:s13], $0x2800  }
0xa4: {  	_ =	swait.ge [sflag:s14], $0x2800  }
0xa5: {  	[sflag:s14] =	ssyncset.done $0x0  }
0xa6: {  	[sflag:s14] =	ssyncadd.s32 $0xFFFFD800  }
0xa7: {  	_ =	sfence.sel $0x180000  }
0xa8: {  	[bflag:$0x0] =	sbarrier.arrive $0xFFFF  }
0xa9: {  	p0 =	sne.s32 s0, $0x0;
	_ =	strace $0x9000004D  }
0xaa: {  	s0 =	sadd.s32 @!p0 $0x100000, s1;
	[bflag:$0x2] =	sbarrier.arrive $0xFFFF  }
0xab: {  	[sflag:s0] =	ssyncadd.tile.s32 @!p0 $0x1;
	_ =	shalt  }
.Lfunc_end2:
_tile_overlayer_lowered:
.L_overlay_start_2:
0xac: {  	(tag) =	ssettag $0x2  }
0xad: {  	s0 =	rddreg [dreg:$0x0];
	s2 =	stileid.u32  }
0xae: {  	s1 =	rddreg [dreg:$0x1];
	p0 =	sne.s32 s2, $0x0  }
0xaf: {  	s3 =	rddreg [dreg:$0x2];
	[bflag:$0x3] =	sbarrier.arrive $0xFFFF;
	s2 =	simm.s32 @!p0 $0x1C03  }
0xb0: {  	[timem:s3], [sflag:s2] =	dma.local @!p0 [hbm:s0], s1  }
0xb1: {  	s0 =	simm.s32 @!p0 $0x3  }
0xb2: {  	_ =	swait.ge @!p0 [sflag:s0], s1  }
0xb3: {  	s1 =	ssub.s32 @!p0 $0x0, s1;
	[sflag:s0] =	ssyncset.done @!p0 $0x0  }
0xb4: {  	[sflag:s0] =	ssyncadd.s32 @!p0 s1  }
0xb5: {  	[bflag:$0x3] =	sbarrier.arrive $0xFFFF  }
0xb6: {  	_ =	shalt  }

// kernel: kernel.8.cloned.1.call-start
scs
__scs_entry_jumppad:
0x0: {  	(pc) =	sbr.rel $0x88, $3  }
0x1: {  	(tag) =	ssettag $0x0;
	lr =	simm.s32 $0x1  }
0x2: {  	[smem:$0x3F9B] =	sst lr;
	_ =	strace $0xD0000000  }
0x3: {  	_ = 	snop  }
0x4: {  	_ = 	snop  }
0x5: {  	_ = 	snop  }
0x6: {  	_ = 	snop  }
0x7: {  	_ = 	snop  }
__scs_overlays_trampoline_lowered:
0x8: {  	[smem:$0x3FAA] =	sst s0  }
0x9: {  	[smem:$0x3FAB] =	sst s1  }
0xa: {  	[smem:$0x3FAC] =	sst s2  }
0xb: {  	[smem:$0x3FAD] =	sst s3  }
0xc: {  	[smem:$0x3FAE] =	sst s4  }
0xd: {  	[smem:$0x3FAF] =	sst s5  }
0xe: {  	[smem:$0x3FB0] =	sst s6  }
0xf: {  	[smem:$0x3FB1] =	sst s7  }
0x10: {  	[smem:$0x3FB2] =	sst s8  }
0x11: {  	[smem:$0x3FB3] =	sst s9;
	s0 =	simm.s32 @!p0 $0x0  }
0x12: {  	s1 =	sld [smem:$0x3F99];
	s0 =	simm.s32 @p0 $0x1  }
0x13: {  	[smem:$0x3FB4] =	sst s0;
	s0 =	simm.s32 @!p1 $0x0  }
0x14: {  	s2 =	sld [smem:$0x3F98];
	s0 =	simm.s32 @p1 $0x1  }
0x15: {  	[smem:$0x3FB5] =	sst s0;
	s0 =	simm.s32 @!p2 $0x0  }
0x16: {  	s3 =	sld [smem:$0x3FDB];
	s0 =	simm.s32 @p2 $0x1  }
0x17: {  	s4 =	simm.s32 $0x1BF5;
	[smem:$0x3FB7] =	sst s0  }
0x18: {  	s0 =	sld [smem:$0x3F9A];
	_ =	swait.ge [sflag:s4], $0x0  }
0x19: {  	s7 =	sld [smem:$0x3F9B]  }
0x1a: {  	s8 =	sadd.s32 $0xFFFFE003, lr  }
0x1b: {  	s9 =	sadd.s32 $0xFFFFFEF7, lr;
	s5 =	simm.s32 $0xFFFFFFFF;
	p2 =	slt.u32 s8, $0xFFFFF086  }
0x1c: {  	p1 =	slt.u32 s9, $0xF7A;
	s5 =	simm.s32 @!p2 $0x0  }
0x1d: {  	s5 =	simm.s32 @p1 $0x1;
	p0 =	seq.s32 s7, s2  }
0x1e: {  	s7 =	smul.u32 @!p0 $0xF7A, s2;
	p2 =	seq.s32 @!p0 s5, $0x0  }
0x1f: {  	s9 =	smul.u32 $0xF7A, s1;
	s8 =	simm.s32 @!p0 $0x1BF5;
	p2 =	por !p2, p0  }
0x20: {  	[sflag:s8] =	ssyncset.s32 @!p0 $0xFFFFF086;
	s6 =	sadd.s32 @!p0 s3, s7;
	s7 =	simm.s32 @!p0 $0x108  }
0x21: {  	s3 =	sadd.s32 s3, s9;
	s6 =	sadd.s32 @!p0 $0x88, s6;
	s7 =	simm.s32 @p2 $0x1082  }
0x22: {  	[simem:s7], [sflag:s8] =	dma.local @!p0 [hbm:s6], $0xF7A  }
0x23: {  	s9 =	sor.u32 $0xD0000000, s2;
	s6 =	simm.s32 $0x108;
	_ =	swait.ge @!p0 [sflag:s8], $0x0  }
0x24: {  	s3 =	sadd.s32 $0x88, s3;
	s6 =	simm.s32 @!p1 $0x1082;
	[sflag:s4] =	ssyncset.s32 $0xFFFFF086  }
0x25: {  	[simem:s6], [sflag:s4] =	dma.local [hbm:s3], $0xF7A  }
0x26: {  	[smem:$0x3F9B] =	sst s1;
	(tag) =	ssettag s2;
	_ =	strace s9  }
0x27: {  	s1 =	sld [smem:$0x3FAB]  }
0x28: {  	s2 =	sld [smem:$0x3FAC]  }
0x29: {  	s4 =	sld [smem:$0x3FAE]  }
0x2a: {  	p0 =	seq.s32 s5, $0x0;
	s5 =	sld [smem:$0x3FAF]  }
0x2b: {  	s6 =	sld [smem:$0x3FB0]  }
0x2c: {  	s7 =	sld [smem:$0x3FB1]  }
0x2d: {  	s3 =	simm.s32 $0x108;
	s8 =	sld [smem:$0x3FB2]  }
0x2e: {  	s3 =	simm.s32 @!p0 $0x1082;
	s9 =	sld [smem:$0x3FB3]  }
0x2f: {  	lr =	sadd.s32 s0, s3;
	s0 =	sld [smem:$0x3FAA]  }
0x30: {  	s3 =	sld [smem:$0x3FAD]  }
0x31: {  	[smem:$0x3FB6] =	sst s10  }
0x32: {  	s10 =	sld [smem:$0x3FB4];
	_ =	sdelay $0x3  }
0x33: {  	p0 =	seq.s32 s10, $0x1;
	s10 =	sld [smem:$0x3FB6];
	_ =	sdelay $0x3  }
0x34: {  	[smem:$0x3FB6] =	sst s10  }
0x35: {  	s10 =	sld [smem:$0x3FB5];
	_ =	sdelay $0x3  }
0x36: {  	p1 =	seq.s32 s10, $0x1;
	s10 =	sld [smem:$0x3FB6];
	_ =	sdelay $0x3  }
0x37: {  	[smem:$0x3FB6] =	sst s10  }
0x38: {  	s10 =	sld [smem:$0x3FB7]  }
0x39: {  	_ = 	snop;
	(pc) =	sbr.ind lr, $3  }
0x3a: {  	_ = 	snop  }
0x3b: {  	_ = 	snop  }
0x3c: {  	p2 =	seq.s32 s10, $0x1;
	s10 =	sld [smem:$0x3FB6]  }
0x3d: {  	_ =	shalt  }
0x3e: {  	_ =	shalt  }
0x3f: {  	_ =	shalt  }
0x40: {  	_ =	shalt  }
0x41: {  	_ =	shalt  }
0x42: {  	_ =	shalt  }
0x43: {  	_ =	shalt  }
0x44: {  	_ =	shalt  }
0x45: {  	_ =	shalt  }
0x46: {  	_ =	shalt  }
0x47: {  	_ =	shalt  }
0x48: {  	_ =	shalt  }
0x49: {  	_ =	shalt  }
0x4a: {  	_ =	shalt  }
0x4b: {  	_ =	shalt  }
0x4c: {  	_ =	shalt  }
0x4d: {  	_ =	shalt  }
0x4e: {  	_ =	shalt  }
0x4f: {  	_ =	shalt  }
0x50: {  	_ =	shalt  }
0x51: {  	_ =	shalt  }
0x52: {  	_ =	shalt  }
0x53: {  	_ =	shalt  }
0x54: {  	_ =	shalt  }
0x55: {  	_ =	shalt  }
0x56: {  	_ =	shalt  }
0x57: {  	_ =	shalt  }
0x58: {  	_ =	shalt  }
0x59: {  	_ =	shalt  }
0x5a: {  	_ =	shalt  }
0x5b: {  	_ =	shalt  }
0x5c: {  	_ =	shalt  }
0x5d: {  	_ =	shalt  }
0x5e: {  	_ =	shalt  }
0x5f: {  	_ =	shalt  }
0x60: {  	_ =	shalt  }
0x61: {  	_ =	shalt  }
0x62: {  	_ =	shalt  }
0x63: {  	_ =	shalt  }
0x64: {  	_ =	shalt  }
0x65: {  	_ =	shalt  }
0x66: {  	_ =	shalt  }
0x67: {  	_ =	shalt  }
0x68: {  	_ =	shalt  }
0x69: {  	_ =	shalt  }
0x6a: {  	_ =	shalt  }
0x6b: {  	_ =	shalt  }
0x6c: {  	_ =	shalt  }
0x6d: {  	_ =	shalt  }
0x6e: {  	_ =	shalt  }
0x6f: {  	_ =	shalt  }
0x70: {  	_ =	shalt  }
0x71: {  	_ =	shalt  }
0x72: {  	_ =	shalt  }
0x73: {  	_ =	shalt  }
0x74: {  	_ =	shalt  }
0x75: {  	_ =	shalt  }
0x76: {  	_ =	shalt  }
0x77: {  	_ =	shalt  }
0x78: {  	_ =	shalt  }
0x79: {  	_ =	shalt  }
0x7a: {  	_ =	shalt  }
0x7b: {  	_ =	shalt  }
0x7c: {  	_ =	shalt  }
0x7d: {  	_ =	shalt  }
0x7e: {  	_ =	shalt  }
0x7f: {  	_ =	shalt  }
0x80: {  	_ =	shalt  }
0x81: {  	_ =	shalt  }
0x82: {  	_ =	shalt  }
0x83: {  	_ =	shalt  }
0x84: {  	_ =	shalt  }
0x85: {  	_ =	shalt  }
0x86: {  	_ =	shalt  }
0x87: {  	_ =	shalt  }
.Lfunc_end0:
.L_simem_size_0:
called_computation_lowered:
.L_overlay_start_0:
0x88: {  	s2 =	sld [smem:$0x3FD9]  }
0x89: {  	s3 =	sld [smem:$0x3FFE];
	_ =	sdelay $0x1  }
0x8a: {  	s1 =	srdreg.scid  }
0x8b: {  	s0 =	sand.u32 $0x1, s1  }
0x8c: {  	s17 =	sshll.u32 s0, $0xA;
	s2 =	sadd.s32 s3, s2  }
0x8d: {  	s2 =	sadd.s32 s2, s17  }
0x8e: {  	[smem:$0x3FC2] =	sst s2  }
0x8f: {  	_ = 	snop  }
0x90: {  	s2 =	sld [smem:$0x3FD0];
	(tm) =	ssettm $0x1  }
0x91: {  	s18 =	sld [smem:$0x3FFB];
	_ =	sdelay $0x3  }
0x92: {  	_ =	strace s18  }
0x93: {  	s3 =	sld [smem:$0x3FFC];
	_ =	sdelay $0x3  }
0x94: {  	_ =	strace s3  }
0x95: {  	s3 =	sld [smem:$0x3FFD];
	_ =	sdelay $0x3  }
0x96: {  	_ =	strace s3  }
0x97: {  	_ =	strace $0x8FFFFFFF  }
0x98: {  	s19 =	sld [smem:$0x3FDB];
	_ =	sdelay $0x1  }
0x99: {  	s4 =	simm.s32 $_scs_section_size  }
0x9a: {  	s5 =	simm.s32 $_size__tile_overlayer_lowered;
	s6 =	simm.s32 $_tile_overlayer_lowered  }
0x9b: {  	s22 =	simm.s32 $0x1BFF;
	s21 =	sshll.u32 s6, $0x1;
	s3 =	sadd.s32 s4, s19  }
0x9c: {  	s7 =	simm.s32 $0x0;
	s20 =	sshll.u32 s5, $0x1;
	s5 =	sadd.s32 s21, s3  }
0x9d: {  	[timem:s7], [sflag:s22] =	dma.local [hbm:s5], s20  }
0x9e: {  	_ =	swait.ge [sflag:s22], s20  }
0x9f: {  	s4 =	ssub.s32 $0x0, s20;
	[sflag:s22] =	ssyncset.done $0x0  }
0xa0: {  	[sflag:s22] =	ssyncadd.s32 s4;
	_ =	sdelay $0x1  }
0xa1: {  	s23 =	simm.s32 $0x1B8B  }
0xa2: {  	_ =	swait.ge [sflag:s23], $0x1  }
0xa3: {  	[sflag:s23] =	ssyncset.done $0x0  }
0xa4: {  	s25 =	simm.s32 $0x1B8E;
	s24 =	sld [smem:$0x3FFE];
	[sflag:s23] =	ssyncadd.s32 $0xFFFFFFFF  }
0xa5: {  	s26 =	simm.s32 $execute0_lowered;
	[smem:$0x3FD2] =	sst s25  }
0xa6: {  	s5 =	sshll.u32 s26, $0x1;
	_ =	strace $0x80000046;
	[dreg:$0x1] =	wrdreg $0xFFFFFFFF  }
0xa7: {  	s28 =	simm.s32 $_size_execute0_lowered;
	s3 =	sadd.s32 s3, s5;
	[dreg:$0x0] =	wrdreg $0x0  }
0xa8: {  	s5 =	sshll.u32 s28, $0x1;
	[dreg:$0x2] =	wrdreg s3  }
0xa9: {  	[dreg:$0x3] =	wrdreg s5  }
0xaa: {  	[dreg:$0x4] =	wrdreg $0xC0  }
0xab: {  	_ =	task [dreg:s7], $0x5FFFF  }
0xac: {  	[dreg:$0x1] =	wrdreg $0xFFFFFFFF  }
0xad: {  	[dreg:$0x0] =	wrdreg $0x60  }
0xae: {  	[dreg:$0x2] =	wrdreg s24  }
0xaf: {  	[dreg:$0x3] =	wrdreg s2  }
0xb0: {  	[dreg:$0x4] =	wrdreg $0x54000  }
0xb1: {  	[dreg:$0x5] =	wrdreg $0x9  }
0xb2: {  	_ =	task.clear_ibuf [dreg:s7], $0x6FFFF;
	_ =	strace $0x90000046  }
0xb3: {  	s29 =	simm.s32 $0x9;
	_ =	strace $0x80000048  }
0xb4: {  	_ =	swait.ge [sflag:s29], $0x1  }
0xb5: {  	[sflag:s29] =	ssyncadd.s32 $0xFFFFFFFF  }
0xb6: {  	_ =	strace $0x90000048  }
0xb7: {  	_ =	sfence  }
0xb8: {  	s30 =	sld [smem:$0x0];
	_ =	sdelay $0x2  }
0xb9: {  	s31 =	sshll.u32 s1, $0xD;
	s1 =	sshrl.u32 s1, $0x2  }
0xba: {  	s3 =	sand.u32 $0x4000, s31;
	s1 =	sadd.s32 s1, s30  }
0xbb: {  	s0 =	sor.u32 s3, s0;
	s1 =	sshll.u32 s1, $0x11  }
0xbc: {  	s0 =	sor.u32 s1, s0  }
0xbd: {  	s0 =	sadd.s32 $0x8F2B, s0  }
0xbe: {  	[sflag:s0] =	ssyncadd.remote.s32 $0x1  }
0xbf: {  	_ =	sfence.sel $0xFFFF  }
0xc0: {  	[dreg:$0x0] =	wrdreg $0xFFFFFFFF;
	(pc) =	sbr.abs _section_cstart, $3  }
0xc1: {  	[dreg:$0x1] =	wrdreg $0xFFFFFFFF  }
0xc2: {  	_ =	task.clear_ibuf [dreg:s7], $0x2FFFF;
	_ =	strace $0x9FFFFFFF  }
0xc3: {  	(tm) =	ssettm $0x7FFFFFFF  }
tec
execute0_lowered:
.L_overlay_start_1:
0x0: {  	(tag) =	ssettag $0x1  }
0x1: {  	s1 =	srdreg.scid  }
0x2: {  	s0 =	stileid.u32;
	s5 =	rddreg [dreg:$0x0]  }
0x3: {  	s2 =	rddreg [dreg:$0x1];
	s7 =	smul.u32 $0x2800, s0  }
0x4: {  	s3 =	rddreg [dreg:$0x2];
	s4 =	simm.s32 $0x0;
	s9 =	smul.u32 $0x14000, s0  }
0x5: {  	s13 =	simm.s32 $0x80;
	s6 =	sand.u32 $0x1, s1;
	s28 =	smul.u32 $0x50000, s0  }
0x6: {  	s14 =	simm.s32 $0x0;
	s1 =	rddreg [dreg:$0x3];
	s8 =	smul.u32 $0x1400, s6  }
0x7: {  	[smem:$0x7FF] =	sst s4;
	s10 =	smul.u32 $0x140000, s6;
	s6 =	ssub.s32 $0x2, s6  }
0x8: {  	s31 =	sshll.u32 s0, $0x6;
	_ =	strace $0x80000047;
	s29 =	sshrl.u32 s6, $0x1  }
0x9: {  	s30 =	sshrl.u32 s28, $0x2;
	s7 =	sadd.s32 s8, s7;
	s26 =	sadd.s32 s9, s10  }
0xa: {  	s11 =	ssub.s32 s6, s29;
	s9 =	sshrl.u32 s9, $0x3;
	s12 =	sadd.s32 s30, s3  }
0xb: {  	s10 =	simm.s32 $0x1400;
	s7 =	sshrl.u32 s7, $0x3;
	s8 =	sshrl.u32 s26, $0x3  }
0xc: {  	s6 =	sadd.s32 s2, s9;
	s9 =	simm.s32 $0x1;
	s7 =	sadd.s32 s7, s5  }
0xd: {  	s12 =	sshrl.u32 s12, $0x3;
	s8 =	sadd.s32 s8, s5;
	s5 =	sadd.s32 $0x2200, s7  }
0xe: {  	s7 =	sadd.s32 $0x7200, s8;
	s8 =	smax.u32 s11, $0x1;
	s11 =	sor.u32 $0x1C01, s31  }
.LBB2_1:
0xf: {  	[tilespmem:s4], [sflag:$0x1] =	stream.linear.gather [hbm4b:s5+s4], $0x1400, $0x38;
	[tilespmem:$0x19400] =	vst v63  }
0x10: {  	_ =	swait.ge [sflag:s9], $0x1400  }
0x11: {  	[sflag:s9] =	ssyncset.done $0x0  }
0x12: {  	[sflag:s9] =	ssyncadd.s32 $0xFFFFEC00  }
0x13: {  	[tilespmem:s10], [sflag:$0x1] =	stream.linear.gather [hbm4b:s2+s4], $0x4000, $0x38;
	[tilespmem:$0x19400] =	vst v63  }
0x14: {  	_ =	swait.ge [sflag:s9], $0x4000  }
0x15: {  	[sflag:s9] =	ssyncset.done $0x0  }
0x16: {  	[sflag:s9] =	ssyncadd.s32 $0xFFFFC000  }
0x17: {  	[spmem:s12], [sflag:s11] =	dma.local [hbm:s6], $0x2800  }
0x18: {  	_ =	swait.ge [sflag:s9], $0x2800  }
0x19: {  	[sflag:s9] =	ssyncset.done $0x0  }
0x1a: {  	[sflag:s9] =	ssyncadd.s32 $0xFFFFD800  }
0x1b: {  	s15 =	simm.s32 $0x0;
	[bflag:$0x0] =	sbarrier.arrive $0xFFFF  }
0x1c: {  	[spmem:s3] =	stream.indirect.scatter.add.f32 [tilespmem:s10], [sflag:$0x1], $0x80, s15, s13, $0xb8;
	[tilespmem:$0x19400] =	vst v63  }
0x1d: {  	_ =	swait.ge [sflag:s9], $0x4000  }
0x1e: {  	s15 =	simm.s32 $0x200;
	[sflag:s9] =	ssyncset.done $0x0  }
.LBB2_2:
0x1f: {  	s16 =	sshra.s32 s15, $0x2;
	[sflag:s9] =	ssyncadd.s32 $0xFFFFC000;
	p0 =	sne.s32 s15, $0x4E00  }
0x20: {  	[spmem:s3] =	stream.indirect.scatter.add.f32 [tilespmem:s10], [sflag:$0x1], $0x80, s16, s13, $0xb8;
	[tilespmem:$0x19400] =	vst v63  }
.Ltmp0:
0x21: {  	_ = 	snop;
	(pc) =	sbr.rel @p0 .LBB2_2-.Ltmp0, $4  }
0x22: {  	_ = 	snop  }
0x23: {  	s15 =	sadd.s32 $0x200, s15  }
0x24: {  	_ =	swait.ge [sflag:s9], $0x4000  }
0x25: {  	[sflag:s9] =	ssyncset.done $0x0  }
0x26: {  	s14 =	sadd.s32 $0x1, s14  }
0x27: {  	[sflag:s9] =	ssyncadd.s32 $0xFFFFC000;
	p0 =	sne.s32 s14, s8  }
.Ltmp1:
0x28: {  	[bflag:$0x0] =	sbarrier.arrive $0xFFFF;
	(pc) =	sbr.rel @p0 .LBB2_1-.Ltmp1, $4  }
0x29: {  	[hbm:s7], [sflag:s11] =	dma.local [spmem:s12], $0x2800  }
0x2a: {  	_ =	swait.ge [sflag:s9], $0x2800  }
0x2b: {  	[sflag:s9] =	ssyncset.done $0x0  }
0x2c: {  	[sflag:s9] =	ssyncadd.s32 $0xFFFFD800  }
0x2d: {  	_ =	sfence.sel $0x180000  }
0x2e: {  	[bflag:$0x0] =	sbarrier.arrive $0xFFFF  }
0x2f: {  	p0 =	sne.s32 s0, $0x0;
	_ =	strace $0x90000047  }
0x30: {  	s0 =	sadd.s32 @!p0 $0x100000, s1;
	[bflag:$0x2] =	sbarrier.arrive $0xFFFF  }
0x31: {  	[sflag:s0] =	ssyncadd.tile.s32 @!p0 $0x1;
	_ =	shalt  }
.Lfunc_end2:
_tile_overlayer_lowered:
.L_overlay_start_2:
0x32: {  	(tag) =	ssettag $0x2  }
0x33: {  	s0 =	rddreg [dreg:$0x0];
	s2 =	stileid.u32  }
0x34: {  	s1 =	rddreg [dreg:$0x1];
	p0 =	sne.s32 s2, $0x0  }
0x35: {  	s3 =	rddreg [dreg:$0x2];
	[bflag:$0x3] =	sbarrier.arrive $0xFFFF;
	s2 =	simm.s32 @!p0 $0x1C01  }
0x36: {  	[timem:s3], [sflag:s2] =	dma.local @!p0 [hbm:s0], s1  }
0x37: {  	s0 =	simm.s32 @!p0 $0x1  }
0x38: {  	_ =	swait.ge @!p0 [sflag:s0], s1  }
0x39: {  	s1 =	ssub.s32 @!p0 $0x0, s1;
	[sflag:s0] =	ssyncset.done @!p0 $0x0  }
0x3a: {  	[sflag:s0] =	ssyncadd.s32 @!p0 s1  }
0x3b: {  	[bflag:$0x3] =	sbarrier.arrive $0xFFFF  }
0x3c: {  	_ =	shalt  }

</sc_bundles>
